<compile_context>
chip_gen: v7x
topology: tpu7x:2x2x1
jax: 0.10.2.dev20260603
libtpu: 0.0.44.dev20260713+nightly
codegen_flags: <defaults>
</compile_context>

<pallas_src>
import functools
import math

import jax
import jax.numpy as jnp
from jax import lax
from jax.experimental import pallas as pl
from jax.experimental.pallas import tpu as pltpu
from jax.experimental.pallas import tpu_sc as plsc

D_MODEL = 64
LANES = 16
NUM_WORKERS = 32
BLK = 128
N_GRP = BLK // LANES


def _emb_body(n_planes, scale,
              xt_hbm, tp_hbm, out_hbm,
              idq, hq, rows_a, rows_b, o_a, o_b, sink,
              gsem_a, gsem_b, osem_a, osem_b):
    wid = lax.axis_index("s") * 2 + lax.axis_index("c")
    b0_base = wid * BLK

    pltpu.sync_copy(xt_hbm.at[:, pl.ds(b0_base, BLK)], idq)

    def prep_body(p, carry):
        for k in range(N_GRP):
            sl = pl.ds(k * LANES, LANES)
            t = idq[p, sl]
            idq[p, sl] = lax.shift_right_logical(t, 1)
            hq[p, sl] = lax.mul(lax.bitwise_and(t, 1), D_MODEL)
        return carry

    lax.fori_loop(0, n_planes, prep_body, 0)

    def gather_start(b1, rows, gsem):
        pltpu.make_async_copy(tp_hbm.at[idq.at[b1]], rows, gsem).start()

    def gather_wait(b1, rows, gsem):
        pltpu.make_async_copy(tp_hbm.at[idq.at[b1]], rows, gsem).wait()

    def transpose(rows, b1, o):
        lane = lax.iota(jnp.int32, LANES)

        def group_body(g, carry):
            hv = hq[b1, pl.ds(g * LANES, LANES)]
            tok = lane + g * LANES
            sl = pl.ds(lax.mul(g, LANES), LANES)

            def d_body(d, col):
                v = plsc.load_gather(rows, [tok, col])
                o[d, sl] = v * scale
                return col + 1

            fcol = plsc.parallel_loop(
                0, D_MODEL, unroll=8, carry=hv)(d_body)
            sink[sl] = fcol
            return carry

        lax.fori_loop(0, N_GRP, group_body, 0)

    def out_start(o, b1, osem):
        pltpu.make_async_copy(
            o, out_hbm.at[b1, :, pl.ds(b0_base, BLK)], osem).start()

    def out_wait(o, b1, osem):
        pltpu.make_async_copy(
            o, out_hbm.at[b1, :, pl.ds(b0_base, BLK)], osem).wait()

    gather_start(0, rows_a, gsem_a)
    gather_start(1, rows_b, gsem_b)

    def pair_body(p, carry):
        a = 2 * p
        b = a + 1

        gather_wait(a, rows_a, gsem_a)

        @pl.when(p > 0)
        def _():
            out_wait(o_a, a - 2, osem_a)

        transpose(rows_a, a, o_a)
        out_start(o_a, a, osem_a)

        @pl.when(a + 2 < n_planes)
        def _():
            gather_start(a + 2, rows_a, gsem_a)

        gather_wait(b, rows_b, gsem_b)

        @pl.when(p > 0)
        def _():
            out_wait(o_b, b - 2, osem_b)

        transpose(rows_b, b, o_b)
        out_start(o_b, b, osem_b)

        @pl.when(b + 2 < n_planes)
        def _():
            gather_start(b + 2, rows_b, gsem_b)

        return carry

    lax.fori_loop(0, n_planes // 2, pair_body, 0)
    out_wait(o_a, n_planes - 2, osem_a)
    out_wait(o_b, n_planes - 1, osem_b)


def kernel(x, table):
    n_b0, n_b1 = x.shape
    vocab = table.shape[0]
    scale = math.sqrt(D_MODEL)

    xt = x.astype(jnp.int32).T
    tp = table.reshape(vocab // 2, 2 * D_MODEL)

    mesh = plsc.VectorSubcoreMesh(core_axis_name="c", subcore_axis_name="s")

    emb = pl.kernel(
        functools.partial(_emb_body, n_b1, scale),
        out_type=jax.ShapeDtypeStruct((n_b1, D_MODEL, n_b0), jnp.float32),
        mesh=mesh,
        scratch_types=[
            pltpu.VMEM((n_b1, BLK), jnp.int32),
            pltpu.VMEM((n_b1, BLK), jnp.int32),
            pltpu.VMEM((BLK, 2 * D_MODEL), jnp.float32),
            pltpu.VMEM((BLK, 2 * D_MODEL), jnp.float32),
            pltpu.VMEM((D_MODEL, BLK), jnp.float32),
            pltpu.VMEM((D_MODEL, BLK), jnp.float32),
            pltpu.VMEM((BLK,), jnp.int32),
            pltpu.SemaphoreType.DMA,
            pltpu.SemaphoreType.DMA,
            pltpu.SemaphoreType.DMA,
            pltpu.SemaphoreType.DMA,
        ],
        compiler_params=pltpu.CompilerParams(needs_layout_passes=False),
    )
    out_t = emb(xt, tp)
    return out_t.transpose(2, 0, 1)

# --- scband reference (transcript-rebuilt; emitter-appended) ---
"""Pipeline reference for scband-embed-45260365366025 (READ-ONLY COPY).

The authoritative reference and input builder live on the scoring server;
editing this copy changes nothing except your own understanding.
"""

import math
import jax, jax.numpy as jnp
import numpy as np

VOCAB = 1000000
D_MODEL = 64

def setup_inputs(seed: int = 0) -> dict:
    key = jax.random.key(seed)
    k1, k2 = jax.random.split(key)
    x = jax.random.randint(k1, (4096, 200), 0, VOCAB, dtype=jnp.int64) if jax.config.jax_enable_x64 else jax.random.randint(k1, (4096, 200), 0, VOCAB, dtype=jnp.int32)
    table = jax.random.normal(k2, (VOCAB, D_MODEL), dtype=jnp.float32)
    return {"x": x, "table": table}

def reference(x, table):
    scaling = math.sqrt(D_MODEL)
    emb = jnp.take(table, x, axis=0)
    return emb * scaling

if __name__ == "__main__":
    import jax
    _d = setup_inputs()
    print(jax.jit(kernel)(*tuple(_d.values())))

</pallas_src>

<mosaic_0001>
#map = affine_map<(d0, d1) -> (0, 0)>
#map1 = affine_map<(d0, d1) -> (0, 0, 0)>
module attributes {stable_mosaic.version = 14 : i64} {
  func.func @_emb_body(%arg0: i32, %arg1: i32, %arg2: memref<200x4096xi32, #tpu.memory_space<hbm>>, %arg3: memref<500000x128xf32, #tpu.memory_space<hbm>>, %arg4: memref<200x64x4096xf32, #tpu.memory_space<hbm>>, %arg5: memref<200x128xi32, #tpu.memory_space<vmem>>, %arg6: memref<200x128xi32, #tpu.memory_space<vmem>>, %arg7: memref<128x128xf32, #tpu.memory_space<vmem>>, %arg8: memref<128x128xf32, #tpu.memory_space<vmem>>, %arg9: memref<64x128xf32, #tpu.memory_space<vmem>>, %arg10: memref<64x128xf32, #tpu.memory_space<vmem>>, %arg11: memref<128xi32, #tpu.memory_space<vmem>>, %arg12: memref<!tpu.dma_semaphore, #tpu.memory_space<semaphore_mem>>, %arg13: memref<!tpu.dma_semaphore, #tpu.memory_space<semaphore_mem>>, %arg14: memref<!tpu.dma_semaphore, #tpu.memory_space<semaphore_mem>>, %arg15: memref<!tpu.dma_semaphore, #tpu.memory_space<semaphore_mem>>) attributes {dimension_semantics = [#tpu.dimension_semantics<core_parallel>, #tpu.dimension_semantics<subcore_parallel>], iteration_bounds = array<i64: 2, 16>, scalar_prefetch = 0 : i64, scratch_operands = 11 : i64, tpu.core_type = #tpu.core_type<sc_vector_subcore>, window_params = [{transform_indices = #map}, {transform_indices = #map}, {transform_indices = #map1}]} {
    %mul3A = arith.constant 2 : i32
    %mul3A_0 = arith.muli %arg1, %mul3A : i32
    %add3A = arith.addi %mul3A_0, %arg0 : i32
    %mul3A_1 = arith.constant 128 : i32
    %mul3A_2 = arith.muli %add3A, %mul3A_1 : i32
    "tpu.region"() ({
      %run_scoped3A = tpu.sem_alloc : memref<!tpu.dma_semaphore, #tpu.memory_space<semaphore_mem>>
      %dma_start3A_40 = arith.constant 0 : i32
      %dma_start3A_41 = tpu.memref_slice %arg2[%dma_start3A_40, %mul3A_2] : memref<200x4096xi32, #tpu.memory_space<hbm>> -> memref<200x128xi32, #tpu.memory_space<hbm>>
      %dma_start3A_42 = arith.constant 0 : i32
      %dma_start3A_43 = tpu.memref_slice %arg2[%dma_start3A_42, %mul3A_2] : memref<200x4096xi32, #tpu.memory_space<hbm>> -> memref<200x128xi32, #tpu.memory_space<hbm>>
      tpu.enqueue_dma source(%dma_start3A_43 : memref<200x128xi32, #tpu.memory_space<hbm>>) target(%arg5 : memref<200x128xi32, #tpu.memory_space<vmem>>) target_semaphore(%run_scoped3A : memref<!tpu.dma_semaphore, #tpu.memory_space<semaphore_mem>>)
      %dma_wait3A_44 = arith.constant 0 : i32
      %dma_wait3A_45 = tpu.memref_slice %arg2[%dma_wait3A_44, %mul3A_2] : memref<200x4096xi32, #tpu.memory_space<hbm>> -> memref<200x128xi32, #tpu.memory_space<hbm>>
      %dma_wait3A_46 = arith.constant 0 : i32
      %dma_wait3A_47 = tpu.memref_slice %arg2[%dma_wait3A_46, %mul3A_2] : memref<200x4096xi32, #tpu.memory_space<hbm>> -> memref<200x128xi32, #tpu.memory_space<hbm>>
      tpu.wait_dma2 semaphore(%run_scoped3A : memref<!tpu.dma_semaphore, #tpu.memory_space<semaphore_mem>>) src(%dma_wait3A_47 : memref<200x128xi32, #tpu.memory_space<hbm>>) dst(%arg5 : memref<200x128xi32, #tpu.memory_space<vmem>>)
      tpu.yield
    }) : () -> ()
    %scan3A = arith.constant 0 : i32
    %scan3A_3 = arith.constant 0 : i32
    %scan3A_4 = arith.constant 200 : i32
    %scan3A_5 = arith.addi %scan3A_3, %scan3A_4 : i32
    %scan3A_6 = arith.constant 1 : i32
    scf.for %scan3A_40 = %scan3A_3 to %scan3A_5 step %scan3A_6  : i32 {
      %get3A = arith.index_cast %scan3A_40 : i32 to index
      %get3A_41 = arith.constant 0 : index
      %get3A_42 = tpu.vector_load %arg5[%get3A, %get3A_41] {strides = array<i32>} : memref<200x128xi32, #tpu.memory_space<vmem>>, vector<16xi32>,
      %shift_right_logical3A = arith.constant 1 : i32
      %shift_right_logical3A_43 = vector.broadcast %shift_right_logical3A : i32 to vector<16xi32>
      %shift_right_logical3A_44 = arith.shrui %get3A_42, %shift_right_logical3A_43 : vector<16xi32>
      %swap3A = arith.index_cast %scan3A_40 : i32 to index
      %swap3A_45 = arith.constant 0 : index
      %swap3A_46 = tpu.vector_load %arg5[%swap3A, %swap3A_45] {strides = array<i32>} : memref<200x128xi32, #tpu.memory_space<vmem>>, vector<16xi32>,
      tpu.vector_store %arg5[%swap3A, %swap3A_45], %shift_right_logical3A_44 {strides = array<i32>} : memref<200x128xi32, #tpu.memory_space<vmem>>, vector<16xi32>,
      %and3A = arith.constant 1 : i32
      %and3A_47 = vector.broadcast %and3A : i32 to vector<16xi32>
      %and3A_48 = arith.andi %get3A_42, %and3A_47 : vector<16xi32>
      %mul3A_49 = arith.constant 64 : i32
      %mul3A_50 = vector.broadcast %mul3A_49 : i32 to vector<16xi32>
      %mul3A_51 = arith.muli %and3A_48, %mul3A_50 : vector<16xi32>
      %swap3A_52 = arith.index_cast %scan3A_40 : i32 to index
      %swap3A_53 = arith.constant 0 : index
      %swap3A_54 = tpu.vector_load %arg6[%swap3A_52, %swap3A_53] {strides = array<i32>} : memref<200x128xi32, #tpu.memory_space<vmem>>, vector<16xi32>,
      tpu.vector_store %arg6[%swap3A_52, %swap3A_53], %mul3A_51 {strides = array<i32>} : memref<200x128xi32, #tpu.memory_space<vmem>>, vector<16xi32>,
      %get3A_55 = arith.index_cast %scan3A_40 : i32 to index
      %get3A_56 = arith.constant 16 : index
      %get3A_57 = tpu.vector_load %arg5[%get3A_55, %get3A_56] {strides = array<i32>} : memref<200x128xi32, #tpu.memory_space<vmem>>, vector<16xi32>,
      %shift_right_logical3A_58 = arith.constant 1 : i32
      %shift_right_logical3A_59 = vector.broadcast %shift_right_logical3A_58 : i32 to vector<16xi32>
      %shift_right_logical3A_60 = arith.shrui %get3A_57, %shift_right_logical3A_59 : vector<16xi32>
      %swap3A_61 = arith.index_cast %scan3A_40 : i32 to index
      %swap3A_62 = arith.constant 16 : index
      %swap3A_63 = tpu.vector_load %arg5[%swap3A_61, %swap3A_62] {strides = array<i32>} : memref<200x128xi32, #tpu.memory_space<vmem>>, vector<16xi32>,
      tpu.vector_store %arg5[%swap3A_61, %swap3A_62], %shift_right_logical3A_60 {strides = array<i32>} : memref<200x128xi32, #tpu.memory_space<vmem>>, vector<16xi32>,
      %and3A_64 = arith.constant 1 : i32
      %and3A_65 = vector.broadcast %and3A_64 : i32 to vector<16xi32>
      %and3A_66 = arith.andi %get3A_57, %and3A_65 : vector<16xi32>
      %mul3A_67 = arith.constant 64 : i32
      %mul3A_68 = vector.broadcast %mul3A_67 : i32 to vector<16xi32>
      %mul3A_69 = arith.muli %and3A_66, %mul3A_68 : vector<16xi32>
      %swap3A_70 = arith.index_cast %scan3A_40 : i32 to index
      %swap3A_71 = arith.constant 16 : index
      %swap3A_72 = tpu.vector_load %arg6[%swap3A_70, %swap3A_71] {strides = array<i32>} : memref<200x128xi32, #tpu.memory_space<vmem>>, vector<16xi32>,
      tpu.vector_store %arg6[%swap3A_70, %swap3A_71], %mul3A_69 {strides = array<i32>} : memref<200x128xi32, #tpu.memory_space<vmem>>, vector<16xi32>,
      %get3A_73 = arith.index_cast %scan3A_40 : i32 to index
      %get3A_74 = arith.constant 32 : index
      %get3A_75 = tpu.vector_load %arg5[%get3A_73, %get3A_74] {strides = array<i32>} : memref<200x128xi32, #tpu.memory_space<vmem>>, vector<16xi32>,
      %shift_right_logical3A_76 = arith.constant 1 : i32
      %shift_right_logical3A_77 = vector.broadcast %shift_right_logical3A_76 : i32 to vector<16xi32>
      %shift_right_logical3A_78 = arith.shrui %get3A_75, %shift_right_logical3A_77 : vector<16xi32>
      %swap3A_79 = arith.index_cast %scan3A_40 : i32 to index
      %swap3A_80 = arith.constant 32 : index
      %swap3A_81 = tpu.vector_load %arg5[%swap3A_79, %swap3A_80] {strides = array<i32>} : memref<200x128xi32, #tpu.memory_space<vmem>>, vector<16xi32>,
      tpu.vector_store %arg5[%swap3A_79, %swap3A_80], %shift_right_logical3A_78 {strides = array<i32>} : memref<200x128xi32, #tpu.memory_space<vmem>>, vector<16xi32>,
      %and3A_82 = arith.constant 1 : i32
      %and3A_83 = vector.broadcast %and3A_82 : i32 to vector<16xi32>
      %and3A_84 = arith.andi %get3A_75, %and3A_83 : vector<16xi32>
      %mul3A_85 = arith.constant 64 : i32
      %mul3A_86 = vector.broadcast %mul3A_85 : i32 to vector<16xi32>
      %mul3A_87 = arith.muli %and3A_84, %mul3A_86 : vector<16xi32>
      %swap3A_88 = arith.index_cast %scan3A_40 : i32 to index
      %swap3A_89 = arith.constant 32 : index
      %swap3A_90 = tpu.vector_load %arg6[%swap3A_88, %swap3A_89] {strides = array<i32>} : memref<200x128xi32, #tpu.memory_space<vmem>>, vector<16xi32>,
      tpu.vector_store %arg6[%swap3A_88, %swap3A_89], %mul3A_87 {strides = array<i32>} : memref<200x128xi32, #tpu.memory_space<vmem>>, vector<16xi32>,
      %get3A_91 = arith.index_cast %scan3A_40 : i32 to index
      %get3A_92 = arith.constant 48 : index
      %get3A_93 = tpu.vector_load %arg5[%get3A_91, %get3A_92] {strides = array<i32>} : memref<200x128xi32, #tpu.memory_space<vmem>>, vector<16xi32>,
      %shift_right_logical3A_94 = arith.constant 1 : i32
      %shift_right_logical3A_95 = vector.broadcast %shift_right_logical3A_94 : i32 to vector<16xi32>
      %shift_right_logical3A_96 = arith.shrui %get3A_93, %shift_right_logical3A_95 : vector<16xi32>
      %swap3A_97 = arith.index_cast %scan3A_40 : i32 to index
      %swap3A_98 = arith.constant 48 : index
      %swap3A_99 = tpu.vector_load %arg5[%swap3A_97, %swap3A_98] {strides = array<i32>} : memref<200x128xi32, #tpu.memory_space<vmem>>, vector<16xi32>,
      tpu.vector_store %arg5[%swap3A_97, %swap3A_98], %shift_right_logical3A_96 {strides = array<i32>} : memref<200x128xi32, #tpu.memory_space<vmem>>, vector<16xi32>,
      %and3A_100 = arith.constant 1 : i32
      %and3A_101 = vector.broadcast %and3A_100 : i32 to vector<16xi32>
      %and3A_102 = arith.andi %get3A_93, %and3A_101 : vector<16xi32>
      %mul3A_103 = arith.constant 64 : i32
      %mul3A_104 = vector.broadcast %mul3A_103 : i32 to vector<16xi32>
      %mul3A_105 = arith.muli %and3A_102, %mul3A_104 : vector<16xi32>
      %swap3A_106 = arith.index_cast %scan3A_40 : i32 to index
      %swap3A_107 = arith.constant 48 : index
      %swap3A_108 = tpu.vector_load %arg6[%swap3A_106, %swap3A_107] {strides = array<i32>} : memref<200x128xi32, #tpu.memory_space<vmem>>, vector<16xi32>,
      tpu.vector_store %arg6[%swap3A_106, %swap3A_107], %mul3A_105 {strides = array<i32>} : memref<200x128xi32, #tpu.memory_space<vmem>>, vector<16xi32>,
      %get3A_109 = arith.index_cast %scan3A_40 : i32 to index
      %get3A_110 = arith.constant 64 : index
      %get3A_111 = tpu.vector_load %arg5[%get3A_109, %get3A_110] {strides = array<i32>} : memref<200x128xi32, #tpu.memory_space<vmem>>, vector<16xi32>,
      %shift_right_logical3A_112 = arith.constant 1 : i32
      %shift_right_logical3A_113 = vector.broadcast %shift_right_logical3A_112 : i32 to vector<16xi32>
      %shift_right_logical3A_114 = arith.shrui %get3A_111, %shift_right_logical3A_113 : vector<16xi32>
      %swap3A_115 = arith.index_cast %scan3A_40 : i32 to index
      %swap3A_116 = arith.constant 64 : index
      %swap3A_117 = tpu.vector_load %arg5[%swap3A_115, %swap3A_116] {strides = array<i32>} : memref<200x128xi32, #tpu.memory_space<vmem>>, vector<16xi32>,
      tpu.vector_store %arg5[%swap3A_115, %swap3A_116], %shift_right_logical3A_114 {strides = array<i32>} : memref<200x128xi32, #tpu.memory_space<vmem>>, vector<16xi32>,
      %and3A_118 = arith.constant 1 : i32
      %and3A_119 = vector.broadcast %and3A_118 : i32 to vector<16xi32>
      %and3A_120 = arith.andi %get3A_111, %and3A_119 : vector<16xi32>
      %mul3A_121 = arith.constant 64 : i32
      %mul3A_122 = vector.broadcast %mul3A_121 : i32 to vector<16xi32>
      %mul3A_123 = arith.muli %and3A_120, %mul3A_122 : vector<16xi32>
      %swap3A_124 = arith.index_cast %scan3A_40 : i32 to index
      %swap3A_125 = arith.constant 64 : index
      %swap3A_126 = tpu.vector_load %arg6[%swap3A_124, %swap3A_125] {strides = array<i32>} : memref<200x128xi32, #tpu.memory_space<vmem>>, vector<16xi32>,
      tpu.vector_store %arg6[%swap3A_124, %swap3A_125], %mul3A_123 {strides = array<i32>} : memref<200x128xi32, #tpu.memory_space<vmem>>, vector<16xi32>,
      %get3A_127 = arith.index_cast %scan3A_40 : i32 to index
      %get3A_128 = arith.constant 80 : index
      %get3A_129 = tpu.vector_load %arg5[%get3A_127, %get3A_128] {strides = array<i32>} : memref<200x128xi32, #tpu.memory_space<vmem>>, vector<16xi32>,
      %shift_right_logical3A_130 = arith.constant 1 : i32
      %shift_right_logical3A_131 = vector.broadcast %shift_right_logical3A_130 : i32 to vector<16xi32>
      %shift_right_logical3A_132 = arith.shrui %get3A_129, %shift_right_logical3A_131 : vector<16xi32>
      %swap3A_133 = arith.index_cast %scan3A_40 : i32 to index
      %swap3A_134 = arith.constant 80 : index
      %swap3A_135 = tpu.vector_load %arg5[%swap3A_133, %swap3A_134] {strides = array<i32>} : memref<200x128xi32, #tpu.memory_space<vmem>>, vector<16xi32>,
      tpu.vector_store %arg5[%swap3A_133, %swap3A_134], %shift_right_logical3A_132 {strides = array<i32>} : memref<200x128xi32, #tpu.memory_space<vmem>>, vector<16xi32>,
      %and3A_136 = arith.constant 1 : i32
      %and3A_137 = vector.broadcast %and3A_136 : i32 to vector<16xi32>
      %and3A_138 = arith.andi %get3A_129, %and3A_137 : vector<16xi32>
      %mul3A_139 = arith.constant 64 : i32
      %mul3A_140 = vector.broadcast %mul3A_139 : i32 to vector<16xi32>
      %mul3A_141 = arith.muli %and3A_138, %mul3A_140 : vector<16xi32>
      %swap3A_142 = arith.index_cast %scan3A_40 : i32 to index
      %swap3A_143 = arith.constant 80 : index
      %swap3A_144 = tpu.vector_load %arg6[%swap3A_142, %swap3A_143] {strides = array<i32>} : memref<200x128xi32, #tpu.memory_space<vmem>>, vector<16xi32>,
      tpu.vector_store %arg6[%swap3A_142, %swap3A_143], %mul3A_141 {strides = array<i32>} : memref<200x128xi32, #tpu.memory_space<vmem>>, vector<16xi32>,
      %get3A_145 = arith.index_cast %scan3A_40 : i32 to index
      %get3A_146 = arith.constant 96 : index
      %get3A_147 = tpu.vector_load %arg5[%get3A_145, %get3A_146] {strides = array<i32>} : memref<200x128xi32, #tpu.memory_space<vmem>>, vector<16xi32>,
      %shift_right_logical3A_148 = arith.constant 1 : i32
      %shift_right_logical3A_149 = vector.broadcast %shift_right_logical3A_148 : i32 to vector<16xi32>
      %shift_right_logical3A_150 = arith.shrui %get3A_147, %shift_right_logical3A_149 : vector<16xi32>
      %swap3A_151 = arith.index_cast %scan3A_40 : i32 to index
      %swap3A_152 = arith.constant 96 : index
      %swap3A_153 = tpu.vector_load %arg5[%swap3A_151, %swap3A_152] {strides = array<i32>} : memref<200x128xi32, #tpu.memory_space<vmem>>, vector<16xi32>,
      tpu.vector_store %arg5[%swap3A_151, %swap3A_152], %shift_right_logical3A_150 {strides = array<i32>} : memref<200x128xi32, #tpu.memory_space<vmem>>, vector<16xi32>,
      %and3A_154 = arith.constant 1 : i32
      %and3A_155 = vector.broadcast %and3A_154 : i32 to vector<16xi32>
      %and3A_156 = arith.andi %get3A_147, %and3A_155 : vector<16xi32>
      %mul3A_157 = arith.constant 64 : i32
      %mul3A_158 = vector.broadcast %mul3A_157 : i32 to vector<16xi32>
      %mul3A_159 = arith.muli %and3A_156, %mul3A_158 : vector<16xi32>
      %swap3A_160 = arith.index_cast %scan3A_40 : i32 to index
      %swap3A_161 = arith.constant 96 : index
      %swap3A_162 = tpu.vector_load %arg6[%swap3A_160, %swap3A_161] {strides = array<i32>} : memref<200x128xi32, #tpu.memory_space<vmem>>, vector<16xi32>,
      tpu.vector_store %arg6[%swap3A_160, %swap3A_161], %mul3A_159 {strides = array<i32>} : memref<200x128xi32, #tpu.memory_space<vmem>>, vector<16xi32>,
      %get3A_163 = arith.index_cast %scan3A_40 : i32 to index
      %get3A_164 = arith.constant 112 : index
      %get3A_165 = tpu.vector_load %arg5[%get3A_163, %get3A_164] {strides = array<i32>} : memref<200x128xi32, #tpu.memory_space<vmem>>, vector<16xi32>,
      %shift_right_logical3A_166 = arith.constant 1 : i32
      %shift_right_logical3A_167 = vector.broadcast %shift_right_logical3A_166 : i32 to vector<16xi32>
      %shift_right_logical3A_168 = arith.shrui %get3A_165, %shift_right_logical3A_167 : vector<16xi32>
      %swap3A_169 = arith.index_cast %scan3A_40 : i32 to index
      %swap3A_170 = arith.constant 112 : index
      %swap3A_171 = tpu.vector_load %arg5[%swap3A_169, %swap3A_170] {strides = array<i32>} : memref<200x128xi32, #tpu.memory_space<vmem>>, vector<16xi32>,
      tpu.vector_store %arg5[%swap3A_169, %swap3A_170], %shift_right_logical3A_168 {strides = array<i32>} : memref<200x128xi32, #tpu.memory_space<vmem>>, vector<16xi32>,
      %and3A_172 = arith.constant 1 : i32
      %and3A_173 = vector.broadcast %and3A_172 : i32 to vector<16xi32>
      %and3A_174 = arith.andi %get3A_165, %and3A_173 : vector<16xi32>
      %mul3A_175 = arith.constant 64 : i32
      %mul3A_176 = vector.broadcast %mul3A_175 : i32 to vector<16xi32>
      %mul3A_177 = arith.muli %and3A_174, %mul3A_176 : vector<16xi32>
      %swap3A_178 = arith.index_cast %scan3A_40 : i32 to index
      %swap3A_179 = arith.constant 112 : index
      %swap3A_180 = tpu.vector_load %arg6[%swap3A_178, %swap3A_179] {strides = array<i32>} : memref<200x128xi32, #tpu.memory_space<vmem>>, vector<16xi32>,
      tpu.vector_store %arg6[%swap3A_178, %swap3A_179], %mul3A_177 {strides = array<i32>} : memref<200x128xi32, #tpu.memory_space<vmem>>, vector<16xi32>,
    }
    %scan3A_7 = arith.constant 200 : i32
    %dma_start3A = arith.constant 0 : i32
    %dma_start3A_8 = arith.constant 0 : i32
    %dma_start3A_9 = tpu.memref_slice %arg5[%dma_start3A, %dma_start3A_8] : memref<200x128xi32, #tpu.memory_space<vmem>> -> memref<1x128xi32, #tpu.memory_space<vmem>>
    %dma_start3A_10 = tpu.memref_squeeze %dma_start3A_9 : memref<1x128xi32, #tpu.memory_space<vmem>> -> memref<128xi32, #tpu.memory_space<vmem>>
    %dma_start3A_11 = arith.constant 0 : i32
    %dma_start3A_12 = arith.constant 0 : i32
    %dma_start3A_13 = tpu.memref_slice %arg3[%dma_start3A_11, %dma_start3A_12] : memref<500000x128xf32, #tpu.memory_space<hbm>> -> memref<500000x128xf32, #tpu.memory_space<hbm>>
    tpu.enqueue_indirect_dma source(%dma_start3A_13 : memref<500000x128xf32, #tpu.memory_space<hbm>>) target(%arg7 : memref<128x128xf32, #tpu.memory_space<vmem>>) offsets(%dma_start3A_10 : memref<128xi32, #tpu.memory_space<vmem>>) semaphore(%arg12 : memref<!tpu.dma_semaphore, #tpu.memory_space<semaphore_mem>>)
    %dma_start3A_14 = arith.constant 1 : i32
    %dma_start3A_15 = arith.constant 0 : i32
    %dma_start3A_16 = tpu.memref_slice %arg5[%dma_start3A_14, %dma_start3A_15] : memref<200x128xi32, #tpu.memory_space<vmem>> -> memref<1x128xi32, #tpu.memory_space<vmem>>
    %dma_start3A_17 = tpu.memref_squeeze %dma_start3A_16 : memref<1x128xi32, #tpu.memory_space<vmem>> -> memref<128xi32, #tpu.memory_space<vmem>>
    %dma_start3A_18 = arith.constant 0 : i32
    %dma_start3A_19 = arith.constant 0 : i32
    %dma_start3A_20 = tpu.memref_slice %arg3[%dma_start3A_18, %dma_start3A_19] : memref<500000x128xf32, #tpu.memory_space<hbm>> -> memref<500000x128xf32, #tpu.memory_space<hbm>>
    tpu.enqueue_indirect_dma source(%dma_start3A_20 : memref<500000x128xf32, #tpu.memory_space<hbm>>) target(%arg8 : memref<128x128xf32, #tpu.memory_space<vmem>>) offsets(%dma_start3A_17 : memref<128xi32, #tpu.memory_space<vmem>>) semaphore(%arg13 : memref<!tpu.dma_semaphore, #tpu.memory_space<semaphore_mem>>)
    %scan3A_21 = arith.constant 0 : i32
    %scan3A_22 = arith.constant 0 : i32
    %scan3A_23 = arith.constant 100 : i32
    %scan3A_24 = arith.addi %scan3A_22, %scan3A_23 : i32
    %scan3A_25 = arith.constant 1 : i32
    scf.for %scan3A_40 = %scan3A_22 to %scan3A_24 step %scan3A_25  : i32 {
      %mul3A_41 = arith.constant 2 : i32
      %mul3A_42 = arith.muli %mul3A_41, %scan3A_40 : i32
      %add3A_43 = arith.constant 1 : i32
      %add3A_44 = arith.addi %mul3A_42, %add3A_43 : i32
      %dma_wait3A_45 = arith.constant 0 : i32
      %dma_wait3A_46 = tpu.memref_slice %arg5[%mul3A_42, %dma_wait3A_45] : memref<200x128xi32, #tpu.memory_space<vmem>> -> memref<1x128xi32, #tpu.memory_space<vmem>>
      %dma_wait3A_47 = tpu.memref_squeeze %dma_wait3A_46 : memref<1x128xi32, #tpu.memory_space<vmem>> -> memref<128xi32, #tpu.memory_space<vmem>>
      %dma_wait3A_48 = arith.constant 0 : i32
      %dma_wait3A_49 = arith.constant 0 : i32
      %dma_wait3A_50 = tpu.memref_slice %arg3[%dma_wait3A_48, %dma_wait3A_49] : memref<500000x128xf32, #tpu.memory_space<hbm>> -> memref<500000x128xf32, #tpu.memory_space<hbm>>
      tpu.wait_indirect_dma semaphore(%arg12 : memref<!tpu.dma_semaphore, #tpu.memory_space<semaphore_mem>>) src(%dma_wait3A_50 : memref<500000x128xf32, #tpu.memory_space<hbm>>) dst(%arg7 : memref<128x128xf32, #tpu.memory_space<vmem>>)
      %gt3A = arith.constant 0 : i32
      %gt3A_51 = arith.cmpi sgt, %scan3A_40, %gt3A : i32
      %convert_element_type3A = arith.extui %gt3A_51 : i1 to i32
      %cond3A = arith.constant 0 : i32
      %cond3A_52 = arith.cmpi ne, %convert_element_type3A, %cond3A : i32
      scf.if %cond3A_52 {
        %sub3A = arith.constant 2 : i32
        %sub3A_102 = arith.subi %mul3A_42, %sub3A : i32
        %dma_wait3A_103 = arith.constant 0 : i32
        %dma_wait3A_104 = tpu.memref_slice %arg4[%sub3A_102, %dma_wait3A_103, %mul3A_2] : memref<200x64x4096xf32, #tpu.memory_space<hbm>> -> memref<1x64x128xf32, #tpu.memory_space<hbm>>
        %dma_wait3A_105 = tpu.memref_squeeze %dma_wait3A_104 : memref<1x64x128xf32, #tpu.memory_space<hbm>> -> memref<64x128xf32, #tpu.memory_space<hbm>>
        %dma_wait3A_106 = arith.constant 0 : i32
        %dma_wait3A_107 = tpu.memref_slice %arg4[%sub3A_102, %dma_wait3A_106, %mul3A_2] : memref<200x64x4096xf32, #tpu.memory_space<hbm>> -> memref<1x64x128xf32, #tpu.memory_space<hbm>>
        %dma_wait3A_108 = tpu.memref_squeeze %dma_wait3A_107 : memref<1x64x128xf32, #tpu.memory_space<hbm>> -> memref<64x128xf32, #tpu.memory_space<hbm>>
        tpu.wait_dma2 semaphore(%arg14 : memref<!tpu.dma_semaphore, #tpu.memory_space<semaphore_mem>>) src(%arg9 : memref<64x128xf32, #tpu.memory_space<vmem>>) dst(%dma_wait3A_108 : memref<64x128xf32, #tpu.memory_space<hbm>>)
      } else {
      }
      %iota3A = tpu.iota {dimensions = array<i32: 0>} : vector<16xi32>
      %scan3A_53 = arith.constant 0 : i32
      %scan3A_54 = arith.constant 0 : i32
      %scan3A_55 = arith.constant 8 : i32
      %scan3A_56 = arith.addi %scan3A_54, %scan3A_55 : i32
      %scan3A_57 = arith.constant 1 : i32
      scf.for %scan3A_102 = %scan3A_54 to %scan3A_56 step %scan3A_57  : i32 {
        %mul3A_103 = arith.constant 16 : i32
        %mul3A_104 = arith.muli %scan3A_102, %mul3A_103 : i32
        %get3A = arith.index_cast %mul3A_42 : i32 to index
        %get3A_105 = arith.index_cast %mul3A_104 : i32 to index
        %get3A_106 = tpu.vector_load %arg6[%get3A, %get3A_105] {strides = array<i32>} : memref<200x128xi32, #tpu.memory_space<vmem>>, vector<16xi32>,
        %mul3A_107 = arith.constant 16 : i32
        %mul3A_108 = arith.muli %scan3A_102, %mul3A_107 : i32
        %add3A_109 = vector.broadcast %mul3A_108 : i32 to vector<16xi32>
        %add3A_110 = arith.addi %iota3A, %add3A_109 : vector<16xi32>
        %mul3A_111 = arith.constant 16 : i32
        %mul3A_112 = arith.muli %scan3A_102, %mul3A_111 : i32
        %parallel_loop3A = arith.constant 0 : i32
        %parallel_loop3A_113 = arith.constant 64 : i32
        %parallel_loop3A_114 = arith.constant 1 : i32
        %parallel_loop3A_115 = scf.for %parallel_loop3A_117 = %parallel_loop3A to %parallel_loop3A_113 step %parallel_loop3A_114 iter_args(%parallel_loop3A_118 = %get3A_106) -> (vector<16xi32>)  : i32 {
          %parallel_loop3A_119 = tpu.vector_load_idx %arg7[%add3A_110, %parallel_loop3A_118] : memref<128x128xf32, #tpu.memory_space<vmem>>[vector<16xi32>, vector<16xi32>], vector<16xf32>,
          %parallel_loop3A_120 = arith.constant 8.000000e+00 : f32
          %parallel_loop3A_121 = vector.broadcast %parallel_loop3A_120 : f32 to vector<16xf32>
          %parallel_loop3A_122 = arith.mulf %parallel_loop3A_119, %parallel_loop3A_121 : vector<16xf32>
          %parallel_loop3A_123 = arith.index_cast %parallel_loop3A_117 : i32 to index
          %parallel_loop3A_124 = arith.index_cast %mul3A_112 : i32 to index
          %parallel_loop3A_125 = tpu.vector_load %arg9[%parallel_loop3A_123, %parallel_loop3A_124] {strides = array<i32>} : memref<64x128xf32, #tpu.memory_space<vmem>>, vector<16xf32>,
          tpu.vector_store %arg9[%parallel_loop3A_123, %parallel_loop3A_124], %parallel_loop3A_122 {strides = array<i32>} : memref<64x128xf32, #tpu.memory_space<vmem>>, vector<16xf32>,
          %parallel_loop3A_126 = arith.constant 1 : i32
          %parallel_loop3A_127 = vector.broadcast %parallel_loop3A_126 : i32 to vector<16xi32>
          %parallel_loop3A_128 = arith.addi %parallel_loop3A_118, %parallel_loop3A_127 : vector<16xi32>
          scf.yield %parallel_loop3A_128 : vector<16xi32>
        } {sc.loop_unroll_factor = 8 : i64, sc.parallel_access}
        %swap3A = arith.index_cast %mul3A_112 : i32 to index
        %swap3A_116 = tpu.vector_load %arg11[%swap3A] {strides = array<i32>} : memref<128xi32, #tpu.memory_space<vmem>>, vector<16xi32>,
        tpu.vector_store %arg11[%swap3A], %parallel_loop3A_115 {strides = array<i32>} : memref<128xi32, #tpu.memory_space<vmem>>, vector<16xi32>,
      }
      %scan3A_58 = arith.constant 8 : i32
      %dma_start3A_59 = arith.constant 0 : i32
      %dma_start3A_60 = tpu.memref_slice %arg4[%mul3A_42, %dma_start3A_59, %mul3A_2] : memref<200x64x4096xf32, #tpu.memory_space<hbm>> -> memref<1x64x128xf32, #tpu.memory_space<hbm>>
      %dma_start3A_61 = tpu.memref_squeeze %dma_start3A_60 : memref<1x64x128xf32, #tpu.memory_space<hbm>> -> memref<64x128xf32, #tpu.memory_space<hbm>>
      %dma_start3A_62 = arith.constant 0 : i32
      %dma_start3A_63 = tpu.memref_slice %arg4[%mul3A_42, %dma_start3A_62, %mul3A_2] : memref<200x64x4096xf32, #tpu.memory_space<hbm>> -> memref<1x64x128xf32, #tpu.memory_space<hbm>>
      %dma_start3A_64 = tpu.memref_squeeze %dma_start3A_63 : memref<1x64x128xf32, #tpu.memory_space<hbm>> -> memref<64x128xf32, #tpu.memory_space<hbm>>
      tpu.enqueue_dma source(%arg9 : memref<64x128xf32, #tpu.memory_space<vmem>>) target(%dma_start3A_64 : memref<64x128xf32, #tpu.memory_space<hbm>>) target_semaphore(%arg14 : memref<!tpu.dma_semaphore, #tpu.memory_space<semaphore_mem>>)
      %add3A_65 = arith.constant 2 : i32
      %add3A_66 = arith.addi %mul3A_42, %add3A_65 : i32
      %lt3A = arith.constant 200 : i32
      %lt3A_67 = arith.cmpi slt, %add3A_66, %lt3A : i32
      %convert_element_type3A_68 = arith.extui %lt3A_67 : i1 to i32
      %cond3A_69 = arith.constant 0 : i32
      %cond3A_70 = arith.cmpi ne, %convert_element_type3A_68, %cond3A_69 : i32
      scf.if %cond3A_70 {
        %add3A_102 = arith.constant 2 : i32
        %add3A_103 = arith.addi %mul3A_42, %add3A_102 : i32
        %dma_start3A_104 = arith.constant 0 : i32
        %dma_start3A_105 = tpu.memref_slice %arg5[%add3A_103, %dma_start3A_104] : memref<200x128xi32, #tpu.memory_space<vmem>> -> memref<1x128xi32, #tpu.memory_space<vmem>>
        %dma_start3A_106 = tpu.memref_squeeze %dma_start3A_105 : memref<1x128xi32, #tpu.memory_space<vmem>> -> memref<128xi32, #tpu.memory_space<vmem>>
        %dma_start3A_107 = arith.constant 0 : i32
        %dma_start3A_108 = arith.constant 0 : i32
        %dma_start3A_109 = tpu.memref_slice %arg3[%dma_start3A_107, %dma_start3A_108] : memref<500000x128xf32, #tpu.memory_space<hbm>> -> memref<500000x128xf32, #tpu.memory_space<hbm>>
        tpu.enqueue_indirect_dma source(%dma_start3A_109 : memref<500000x128xf32, #tpu.memory_space<hbm>>) target(%arg7 : memref<128x128xf32, #tpu.memory_space<vmem>>) offsets(%dma_start3A_106 : memref<128xi32, #tpu.memory_space<vmem>>) semaphore(%arg12 : memref<!tpu.dma_semaphore, #tpu.memory_space<semaphore_mem>>)
      } else {
      }
      %dma_wait3A_71 = arith.constant 0 : i32
      %dma_wait3A_72 = tpu.memref_slice %arg5[%add3A_44, %dma_wait3A_71] : memref<200x128xi32, #tpu.memory_space<vmem>> -> memref<1x128xi32, #tpu.memory_space<vmem>>
      %dma_wait3A_73 = tpu.memref_squeeze %dma_wait3A_72 : memref<1x128xi32, #tpu.memory_space<vmem>> -> memref<128xi32, #tpu.memory_space<vmem>>
      %dma_wait3A_74 = arith.constant 0 : i32
      %dma_wait3A_75 = arith.constant 0 : i32
      %dma_wait3A_76 = tpu.memref_slice %arg3[%dma_wait3A_74, %dma_wait3A_75] : memref<500000x128xf32, #tpu.memory_space<hbm>> -> memref<500000x128xf32, #tpu.memory_space<hbm>>
      tpu.wait_indirect_dma semaphore(%arg13 : memref<!tpu.dma_semaphore, #tpu.memory_space<semaphore_mem>>) src(%dma_wait3A_76 : memref<500000x128xf32, #tpu.memory_space<hbm>>) dst(%arg8 : memref<128x128xf32, #tpu.memory_space<vmem>>)
      %gt3A_77 = arith.constant 0 : i32
      %gt3A_78 = arith.cmpi sgt, %scan3A_40, %gt3A_77 : i32
      %convert_element_type3A_79 = arith.extui %gt3A_78 : i1 to i32
      %cond3A_80 = arith.constant 0 : i32
      %cond3A_81 = arith.cmpi ne, %convert_element_type3A_79, %cond3A_80 : i32
      scf.if %cond3A_81 {
        %sub3A = arith.constant 2 : i32
        %sub3A_102 = arith.subi %add3A_44, %sub3A : i32
        %dma_wait3A_103 = arith.constant 0 : i32
        %dma_wait3A_104 = tpu.memref_slice %arg4[%sub3A_102, %dma_wait3A_103, %mul3A_2] : memref<200x64x4096xf32, #tpu.memory_space<hbm>> -> memref<1x64x128xf32, #tpu.memory_space<hbm>>
        %dma_wait3A_105 = tpu.memref_squeeze %dma_wait3A_104 : memref<1x64x128xf32, #tpu.memory_space<hbm>> -> memref<64x128xf32, #tpu.memory_space<hbm>>
        %dma_wait3A_106 = arith.constant 0 : i32
        %dma_wait3A_107 = tpu.memref_slice %arg4[%sub3A_102, %dma_wait3A_106, %mul3A_2] : memref<200x64x4096xf32, #tpu.memory_space<hbm>> -> memref<1x64x128xf32, #tpu.memory_space<hbm>>
        %dma_wait3A_108 = tpu.memref_squeeze %dma_wait3A_107 : memref<1x64x128xf32, #tpu.memory_space<hbm>> -> memref<64x128xf32, #tpu.memory_space<hbm>>
        tpu.wait_dma2 semaphore(%arg15 : memref<!tpu.dma_semaphore, #tpu.memory_space<semaphore_mem>>) src(%arg10 : memref<64x128xf32, #tpu.memory_space<vmem>>) dst(%dma_wait3A_108 : memref<64x128xf32, #tpu.memory_space<hbm>>)
      } else {
      }
      %iota3A_82 = tpu.iota {dimensions = array<i32: 0>} : vector<16xi32>
      %scan3A_83 = arith.constant 0 : i32
      %scan3A_84 = arith.constant 0 : i32
      %scan3A_85 = arith.constant 8 : i32
      %scan3A_86 = arith.addi %scan3A_84, %scan3A_85 : i32
      %scan3A_87 = arith.constant 1 : i32
      scf.for %scan3A_102 = %scan3A_84 to %scan3A_86 step %scan3A_87  : i32 {
        %mul3A_103 = arith.constant 16 : i32
        %mul3A_104 = arith.muli %scan3A_102, %mul3A_103 : i32
        %get3A = arith.index_cast %add3A_44 : i32 to index
        %get3A_105 = arith.index_cast %mul3A_104 : i32 to index
        %get3A_106 = tpu.vector_load %arg6[%get3A, %get3A_105] {strides = array<i32>} : memref<200x128xi32, #tpu.memory_space<vmem>>, vector<16xi32>,
        %mul3A_107 = arith.constant 16 : i32
        %mul3A_108 = arith.muli %scan3A_102, %mul3A_107 : i32
        %add3A_109 = vector.broadcast %mul3A_108 : i32 to vector<16xi32>
        %add3A_110 = arith.addi %iota3A_82, %add3A_109 : vector<16xi32>
        %mul3A_111 = arith.constant 16 : i32
        %mul3A_112 = arith.muli %scan3A_102, %mul3A_111 : i32
        %parallel_loop3A = arith.constant 0 : i32
        %parallel_loop3A_113 = arith.constant 64 : i32
        %parallel_loop3A_114 = arith.constant 1 : i32
        %parallel_loop3A_115 = scf.for %parallel_loop3A_117 = %parallel_loop3A to %parallel_loop3A_113 step %parallel_loop3A_114 iter_args(%parallel_loop3A_118 = %get3A_106) -> (vector<16xi32>)  : i32 {
          %parallel_loop3A_119 = tpu.vector_load_idx %arg8[%add3A_110, %parallel_loop3A_118] : memref<128x128xf32, #tpu.memory_space<vmem>>[vector<16xi32>, vector<16xi32>], vector<16xf32>,
          %parallel_loop3A_120 = arith.constant 8.000000e+00 : f32
          %parallel_loop3A_121 = vector.broadcast %parallel_loop3A_120 : f32 to vector<16xf32>
          %parallel_loop3A_122 = arith.mulf %parallel_loop3A_119, %parallel_loop3A_121 : vector<16xf32>
          %parallel_loop3A_123 = arith.index_cast %parallel_loop3A_117 : i32 to index
          %parallel_loop3A_124 = arith.index_cast %mul3A_112 : i32 to index
          %parallel_loop3A_125 = tpu.vector_load %arg10[%parallel_loop3A_123, %parallel_loop3A_124] {strides = array<i32>} : memref<64x128xf32, #tpu.memory_space<vmem>>, vector<16xf32>,
          tpu.vector_store %arg10[%parallel_loop3A_123, %parallel_loop3A_124], %parallel_loop3A_122 {strides = array<i32>} : memref<64x128xf32, #tpu.memory_space<vmem>>, vector<16xf32>,
          %parallel_loop3A_126 = arith.constant 1 : i32
          %parallel_loop3A_127 = vector.broadcast %parallel_loop3A_126 : i32 to vector<16xi32>
          %parallel_loop3A_128 = arith.addi %parallel_loop3A_118, %parallel_loop3A_127 : vector<16xi32>
          scf.yield %parallel_loop3A_128 : vector<16xi32>
        } {sc.loop_unroll_factor = 8 : i64, sc.parallel_access}
        %swap3A = arith.index_cast %mul3A_112 : i32 to index
        %swap3A_116 = tpu.vector_load %arg11[%swap3A] {strides = array<i32>} : memref<128xi32, #tpu.memory_space<vmem>>, vector<16xi32>,
        tpu.vector_store %arg11[%swap3A], %parallel_loop3A_115 {strides = array<i32>} : memref<128xi32, #tpu.memory_space<vmem>>, vector<16xi32>,
      }
      %scan3A_88 = arith.constant 8 : i32
      %dma_start3A_89 = arith.constant 0 : i32
      %dma_start3A_90 = tpu.memref_slice %arg4[%add3A_44, %dma_start3A_89, %mul3A_2] : memref<200x64x4096xf32, #tpu.memory_space<hbm>> -> memref<1x64x128xf32, #tpu.memory_space<hbm>>
      %dma_start3A_91 = tpu.memref_squeeze %dma_start3A_90 : memref<1x64x128xf32, #tpu.memory_space<hbm>> -> memref<64x128xf32, #tpu.memory_space<hbm>>
      %dma_start3A_92 = arith.constant 0 : i32
      %dma_start3A_93 = tpu.memref_slice %arg4[%add3A_44, %dma_start3A_92, %mul3A_2] : memref<200x64x4096xf32, #tpu.memory_space<hbm>> -> memref<1x64x128xf32, #tpu.memory_space<hbm>>
      %dma_start3A_94 = tpu.memref_squeeze %dma_start3A_93 : memref<1x64x128xf32, #tpu.memory_space<hbm>> -> memref<64x128xf32, #tpu.memory_space<hbm>>
      tpu.enqueue_dma source(%arg10 : memref<64x128xf32, #tpu.memory_space<vmem>>) target(%dma_start3A_94 : memref<64x128xf32, #tpu.memory_space<hbm>>) target_semaphore(%arg15 : memref<!tpu.dma_semaphore, #tpu.memory_space<semaphore_mem>>)
      %add3A_95 = arith.constant 2 : i32
      %add3A_96 = arith.addi %add3A_44, %add3A_95 : i32
      %lt3A_97 = arith.constant 200 : i32
      %lt3A_98 = arith.cmpi slt, %add3A_96, %lt3A_97 : i32
      %convert_element_type3A_99 = arith.extui %lt3A_98 : i1 to i32
      %cond3A_100 = arith.constant 0 : i32
      %cond3A_101 = arith.cmpi ne, %convert_element_type3A_99, %cond3A_100 : i32
      scf.if %cond3A_101 {
        %add3A_102 = arith.constant 2 : i32
        %add3A_103 = arith.addi %add3A_44, %add3A_102 : i32
        %dma_start3A_104 = arith.constant 0 : i32
        %dma_start3A_105 = tpu.memref_slice %arg5[%add3A_103, %dma_start3A_104] : memref<200x128xi32, #tpu.memory_space<vmem>> -> memref<1x128xi32, #tpu.memory_space<vmem>>
        %dma_start3A_106 = tpu.memref_squeeze %dma_start3A_105 : memref<1x128xi32, #tpu.memory_space<vmem>> -> memref<128xi32, #tpu.memory_space<vmem>>
        %dma_start3A_107 = arith.constant 0 : i32
        %dma_start3A_108 = arith.constant 0 : i32
        %dma_start3A_109 = tpu.memref_slice %arg3[%dma_start3A_107, %dma_start3A_108] : memref<500000x128xf32, #tpu.memory_space<hbm>> -> memref<500000x128xf32, #tpu.memory_space<hbm>>
        tpu.enqueue_indirect_dma source(%dma_start3A_109 : memref<500000x128xf32, #tpu.memory_space<hbm>>) target(%arg8 : memref<128x128xf32, #tpu.memory_space<vmem>>) offsets(%dma_start3A_106 : memref<128xi32, #tpu.memory_space<vmem>>) semaphore(%arg13 : memref<!tpu.dma_semaphore, #tpu.memory_space<semaphore_mem>>)
      } else {
      }
    }
    %scan3A_26 = arith.constant 100 : i32
    %dma_wait3A = arith.constant 198 : i32
    %dma_wait3A_27 = arith.constant 0 : i32
    %dma_wait3A_28 = tpu.memref_slice %arg4[%dma_wait3A, %dma_wait3A_27, %mul3A_2] : memref<200x64x4096xf32, #tpu.memory_space<hbm>> -> memref<1x64x128xf32, #tpu.memory_space<hbm>>
    %dma_wait3A_29 = tpu.memref_squeeze %dma_wait3A_28 : memref<1x64x128xf32, #tpu.memory_space<hbm>> -> memref<64x128xf32, #tpu.memory_space<hbm>>
    %dma_wait3A_30 = arith.constant 0 : i32
    %dma_wait3A_31 = tpu.memref_slice %arg4[%dma_wait3A, %dma_wait3A_30, %mul3A_2] : memref<200x64x4096xf32, #tpu.memory_space<hbm>> -> memref<1x64x128xf32, #tpu.memory_space<hbm>>
    %dma_wait3A_32 = tpu.memref_squeeze %dma_wait3A_31 : memref<1x64x128xf32, #tpu.memory_space<hbm>> -> memref<64x128xf32, #tpu.memory_space<hbm>>
    tpu.wait_dma2 semaphore(%arg14 : memref<!tpu.dma_semaphore, #tpu.memory_space<semaphore_mem>>) src(%arg9 : memref<64x128xf32, #tpu.memory_space<vmem>>) dst(%dma_wait3A_32 : memref<64x128xf32, #tpu.memory_space<hbm>>)
    %dma_wait3A_33 = arith.constant 199 : i32
    %dma_wait3A_34 = arith.constant 0 : i32
    %dma_wait3A_35 = tpu.memref_slice %arg4[%dma_wait3A_33, %dma_wait3A_34, %mul3A_2] : memref<200x64x4096xf32, #tpu.memory_space<hbm>> -> memref<1x64x128xf32, #tpu.memory_space<hbm>>
    %dma_wait3A_36 = tpu.memref_squeeze %dma_wait3A_35 : memref<1x64x128xf32, #tpu.memory_space<hbm>> -> memref<64x128xf32, #tpu.memory_space<hbm>>
    %dma_wait3A_37 = arith.constant 0 : i32
    %dma_wait3A_38 = tpu.memref_slice %arg4[%dma_wait3A_33, %dma_wait3A_37, %mul3A_2] : memref<200x64x4096xf32, #tpu.memory_space<hbm>> -> memref<1x64x128xf32, #tpu.memory_space<hbm>>
    %dma_wait3A_39 = tpu.memref_squeeze %dma_wait3A_38 : memref<1x64x128xf32, #tpu.memory_space<hbm>> -> memref<64x128xf32, #tpu.memory_space<hbm>>
    tpu.wait_dma2 semaphore(%arg15 : memref<!tpu.dma_semaphore, #tpu.memory_space<semaphore_mem>>) src(%arg10 : memref<64x128xf32, #tpu.memory_space<vmem>>) dst(%dma_wait3A_39 : memref<64x128xf32, #tpu.memory_space<hbm>>)
    return
  }
}

</mosaic_0001>

<sc_bundles>
// kernel: kernel.3.cloned.1.call-start
scs
__scs_entry_jumppad:
0x0: {  	(pc) =	sbr.rel $0x88, $3  }
0x1: {  	(tag) =	ssettag $0x0;
	lr =	simm.s32 $0x1  }
0x2: {  	[smem:$0x3F9F] =	sst lr;
	_ =	strace $0xD0000000  }
0x3: {  	_ = 	snop  }
0x4: {  	_ = 	snop  }
0x5: {  	_ = 	snop  }
0x6: {  	_ = 	snop  }
0x7: {  	_ = 	snop  }
__scs_overlays_trampoline_lowered:
0x8: {  	[smem:$0x3FAE] =	sst s0  }
0x9: {  	[smem:$0x3FAF] =	sst s1  }
0xa: {  	[smem:$0x3FB0] =	sst s2  }
0xb: {  	[smem:$0x3FB1] =	sst s3  }
0xc: {  	[smem:$0x3FB2] =	sst s4  }
0xd: {  	[smem:$0x3FB3] =	sst s5  }
0xe: {  	[smem:$0x3FB4] =	sst s6  }
0xf: {  	[smem:$0x3FB5] =	sst s7  }
0x10: {  	[smem:$0x3FB6] =	sst s8  }
0x11: {  	[smem:$0x3FB7] =	sst s9;
	s0 =	simm.s32 @!p0 $0x0  }
0x12: {  	s1 =	sld [smem:$0x3F9D];
	s0 =	simm.s32 @p0 $0x1  }
0x13: {  	[smem:$0x3FB8] =	sst s0;
	s0 =	simm.s32 @!p1 $0x0  }
0x14: {  	s2 =	sld [smem:$0x3F9C];
	s0 =	simm.s32 @p1 $0x1  }
0x15: {  	[smem:$0x3FB9] =	sst s0;
	s0 =	simm.s32 @!p2 $0x0  }
0x16: {  	s3 =	sld [smem:$0x3FDB];
	s0 =	simm.s32 @p2 $0x1  }
0x17: {  	s4 =	simm.s32 $0x1BF5;
	[smem:$0x3FBB] =	sst s0  }
0x18: {  	s0 =	sld [smem:$0x3F9E];
	_ =	swait.ge [sflag:s4], $0x0  }
0x19: {  	s7 =	sld [smem:$0x3F9F]  }
0x1a: {  	s8 =	sadd.s32 $0xFFFFE003, lr  }
0x1b: {  	s9 =	sadd.s32 $0xFFFFFEF7, lr;
	s5 =	simm.s32 $0xFFFFFFFF;
	p2 =	slt.u32 s8, $0xFFFFF086  }
0x1c: {  	p1 =	slt.u32 s9, $0xF7A;
	s5 =	simm.s32 @!p2 $0x0  }
0x1d: {  	s5 =	simm.s32 @p1 $0x1;
	p0 =	seq.s32 s7, s2  }
0x1e: {  	s7 =	smul.u32 @!p0 $0xF7A, s2;
	p2 =	seq.s32 @!p0 s5, $0x0  }
0x1f: {  	s9 =	smul.u32 $0xF7A, s1;
	s8 =	simm.s32 @!p0 $0x1BF5;
	p2 =	por !p2, p0  }
0x20: {  	[sflag:s8] =	ssyncset.s32 @!p0 $0xFFFFF086;
	s6 =	sadd.s32 @!p0 s3, s7;
	s7 =	simm.s32 @!p0 $0x108  }
0x21: {  	s3 =	sadd.s32 s3, s9;
	s6 =	sadd.s32 @!p0 $0x88, s6;
	s7 =	simm.s32 @p2 $0x1082  }
0x22: {  	[simem:s7], [sflag:s8] =	dma.local @!p0 [hbm:s6], $0xF7A  }
0x23: {  	s9 =	sor.u32 $0xD0000000, s2;
	s6 =	simm.s32 $0x108;
	_ =	swait.ge @!p0 [sflag:s8], $0x0  }
0x24: {  	s3 =	sadd.s32 $0x88, s3;
	s6 =	simm.s32 @!p1 $0x1082;
	[sflag:s4] =	ssyncset.s32 $0xFFFFF086  }
0x25: {  	[simem:s6], [sflag:s4] =	dma.local [hbm:s3], $0xF7A  }
0x26: {  	[smem:$0x3F9F] =	sst s1;
	(tag) =	ssettag s2;
	_ =	strace s9  }
0x27: {  	s1 =	sld [smem:$0x3FAF]  }
0x28: {  	s2 =	sld [smem:$0x3FB0]  }
0x29: {  	s4 =	sld [smem:$0x3FB2]  }
0x2a: {  	p0 =	seq.s32 s5, $0x0;
	s5 =	sld [smem:$0x3FB3]  }
0x2b: {  	s6 =	sld [smem:$0x3FB4]  }
0x2c: {  	s7 =	sld [smem:$0x3FB5]  }
0x2d: {  	s3 =	simm.s32 $0x108;
	s8 =	sld [smem:$0x3FB6]  }
0x2e: {  	s3 =	simm.s32 @!p0 $0x1082;
	s9 =	sld [smem:$0x3FB7]  }
0x2f: {  	lr =	sadd.s32 s0, s3;
	s0 =	sld [smem:$0x3FAE]  }
0x30: {  	s3 =	sld [smem:$0x3FB1]  }
0x31: {  	[smem:$0x3FBA] =	sst s10  }
0x32: {  	s10 =	sld [smem:$0x3FB8];
	_ =	sdelay $0x3  }
0x33: {  	p0 =	seq.s32 s10, $0x1;
	s10 =	sld [smem:$0x3FBA];
	_ =	sdelay $0x3  }
0x34: {  	[smem:$0x3FBA] =	sst s10  }
0x35: {  	s10 =	sld [smem:$0x3FB9];
	_ =	sdelay $0x3  }
0x36: {  	p1 =	seq.s32 s10, $0x1;
	s10 =	sld [smem:$0x3FBA];
	_ =	sdelay $0x3  }
0x37: {  	[smem:$0x3FBA] =	sst s10  }
0x38: {  	s10 =	sld [smem:$0x3FBB]  }
0x39: {  	_ = 	snop;
	(pc) =	sbr.ind lr, $3  }
0x3a: {  	_ = 	snop  }
0x3b: {  	_ = 	snop  }
0x3c: {  	p2 =	seq.s32 s10, $0x1;
	s10 =	sld [smem:$0x3FBA]  }
0x3d: {  	_ =	shalt  }
0x3e: {  	_ =	shalt  }
0x3f: {  	_ =	shalt  }
0x40: {  	_ =	shalt  }
0x41: {  	_ =	shalt  }
0x42: {  	_ =	shalt  }
0x43: {  	_ =	shalt  }
0x44: {  	_ =	shalt  }
0x45: {  	_ =	shalt  }
0x46: {  	_ =	shalt  }
0x47: {  	_ =	shalt  }
0x48: {  	_ =	shalt  }
0x49: {  	_ =	shalt  }
0x4a: {  	_ =	shalt  }
0x4b: {  	_ =	shalt  }
0x4c: {  	_ =	shalt  }
0x4d: {  	_ =	shalt  }
0x4e: {  	_ =	shalt  }
0x4f: {  	_ =	shalt  }
0x50: {  	_ =	shalt  }
0x51: {  	_ =	shalt  }
0x52: {  	_ =	shalt  }
0x53: {  	_ =	shalt  }
0x54: {  	_ =	shalt  }
0x55: {  	_ =	shalt  }
0x56: {  	_ =	shalt  }
0x57: {  	_ =	shalt  }
0x58: {  	_ =	shalt  }
0x59: {  	_ =	shalt  }
0x5a: {  	_ =	shalt  }
0x5b: {  	_ =	shalt  }
0x5c: {  	_ =	shalt  }
0x5d: {  	_ =	shalt  }
0x5e: {  	_ =	shalt  }
0x5f: {  	_ =	shalt  }
0x60: {  	_ =	shalt  }
0x61: {  	_ =	shalt  }
0x62: {  	_ =	shalt  }
0x63: {  	_ =	shalt  }
0x64: {  	_ =	shalt  }
0x65: {  	_ =	shalt  }
0x66: {  	_ =	shalt  }
0x67: {  	_ =	shalt  }
0x68: {  	_ =	shalt  }
0x69: {  	_ =	shalt  }
0x6a: {  	_ =	shalt  }
0x6b: {  	_ =	shalt  }
0x6c: {  	_ =	shalt  }
0x6d: {  	_ =	shalt  }
0x6e: {  	_ =	shalt  }
0x6f: {  	_ =	shalt  }
0x70: {  	_ =	shalt  }
0x71: {  	_ =	shalt  }
0x72: {  	_ =	shalt  }
0x73: {  	_ =	shalt  }
0x74: {  	_ =	shalt  }
0x75: {  	_ =	shalt  }
0x76: {  	_ =	shalt  }
0x77: {  	_ =	shalt  }
0x78: {  	_ =	shalt  }
0x79: {  	_ =	shalt  }
0x7a: {  	_ =	shalt  }
0x7b: {  	_ =	shalt  }
0x7c: {  	_ =	shalt  }
0x7d: {  	_ =	shalt  }
0x7e: {  	_ =	shalt  }
0x7f: {  	_ =	shalt  }
0x80: {  	_ =	shalt  }
0x81: {  	_ =	shalt  }
0x82: {  	_ =	shalt  }
0x83: {  	_ =	shalt  }
0x84: {  	_ =	shalt  }
0x85: {  	_ =	shalt  }
0x86: {  	_ =	shalt  }
0x87: {  	_ =	shalt  }
.Lfunc_end0:
.L_simem_size_0:
called_computation_lowered:
.L_overlay_start_0:
0x88: {  	s2 =	sld [smem:$0x3FD9]  }
0x89: {  	s3 =	sld [smem:$0x3FFE];
	_ =	sdelay $0x1  }
0x8a: {  	s1 =	srdreg.scid  }
0x8b: {  	s0 =	sand.u32 $0x1, s1  }
0x8c: {  	s17 =	sshll.u32 s0, $0xA;
	s2 =	sadd.s32 s3, s2  }
0x8d: {  	s2 =	sadd.s32 s2, s17  }
0x8e: {  	[smem:$0x3FC6] =	sst s2  }
0x8f: {  	_ = 	snop  }
0x90: {  	s2 =	sld [smem:$0x3FC9]  }
0x91: {  	s18 =	sld [smem:$0x3FD0];
	(tm) =	ssettm $0x1  }
0x92: {  	s4 =	sld [smem:$0x3FFB];
	_ =	sdelay $0x3  }
0x93: {  	_ =	strace s4  }
0x94: {  	s4 =	sld [smem:$0x3FFC];
	_ =	sdelay $0x3  }
0x95: {  	_ =	strace s4  }
0x96: {  	s4 =	sld [smem:$0x3FFD];
	_ =	sdelay $0x3  }
0x97: {  	_ =	strace s4  }
0x98: {  	_ =	strace $0x8FFFFFFF  }
0x99: {  	s19 =	sld [smem:$0x3FDB];
	_ =	sdelay $0x1  }
0x9a: {  	s5 =	simm.s32 $_scs_section_size  }
0x9b: {  	s6 =	simm.s32 $_size__tile_overlayer_lowered;
	s7 =	simm.s32 $_tile_overlayer_lowered  }
0x9c: {  	s22 =	simm.s32 $0x1BFF;
	s21 =	sshll.u32 s7, $0x1;
	s4 =	sadd.s32 s5, s19  }
0x9d: {  	s8 =	simm.s32 $0x0;
	s20 =	sshll.u32 s6, $0x1;
	s6 =	sadd.s32 s21, s4  }
0x9e: {  	[timem:s8], [sflag:s22] =	dma.local [hbm:s6], s20  }
0x9f: {  	_ =	swait.ge [sflag:s22], s20  }
0xa0: {  	s5 =	ssub.s32 $0x0, s20;
	[sflag:s22] =	ssyncset.done $0x0  }
0xa1: {  	[sflag:s22] =	ssyncadd.s32 s5;
	_ =	sdelay $0x1  }
0xa2: {  	s23 =	simm.s32 $0x1B8B  }
0xa3: {  	_ =	swait.ge [sflag:s23], $0x1  }
0xa4: {  	[sflag:s23] =	ssyncset.done $0x0  }
0xa5: {  	s25 =	simm.s32 $0x1B8E;
	s24 =	sld [smem:$0x3FFE];
	[sflag:s23] =	ssyncadd.s32 $0xFFFFFFFF  }
0xa6: {  	s26 =	simm.s32 $execute0_lowered;
	[smem:$0x3FD2] =	sst s25  }
0xa7: {  	s6 =	sshll.u32 s26, $0x1;
	_ =	strace $0x80000046;
	[dreg:$0x1] =	wrdreg $0xFFFFFFFF  }
0xa8: {  	s28 =	simm.s32 $_size_execute0_lowered;
	s4 =	sadd.s32 s4, s6;
	[dreg:$0x0] =	wrdreg $0x0  }
0xa9: {  	s6 =	sshll.u32 s28, $0x1;
	[dreg:$0x2] =	wrdreg s4  }
0xaa: {  	[dreg:$0x3] =	wrdreg s6  }
0xab: {  	[dreg:$0x4] =	wrdreg $0xC0  }
0xac: {  	_ =	task [dreg:s8], $0x5FFFF  }
0xad: {  	[dreg:$0x1] =	wrdreg $0xFFFFFFFF  }
0xae: {  	[dreg:$0x0] =	wrdreg $0x60  }
0xaf: {  	[dreg:$0x2] =	wrdreg s2  }
0xb0: {  	[dreg:$0x3] =	wrdreg s24  }
0xb1: {  	[dreg:$0x4] =	wrdreg s18  }
0xb2: {  	[dreg:$0x5] =	wrdreg $0x9  }
0xb3: {  	_ =	task.clear_ibuf [dreg:s8], $0x6FFFF;
	_ =	strace $0x90000046  }
0xb4: {  	s29 =	simm.s32 $0x9;
	_ =	strace $0x80000048  }
0xb5: {  	_ =	swait.ge [sflag:s29], $0x1  }
0xb6: {  	[sflag:s29] =	ssyncadd.s32 $0xFFFFFFFF  }
0xb7: {  	_ =	strace $0x90000048  }
0xb8: {  	_ =	sfence  }
0xb9: {  	s30 =	sld [smem:$0x0];
	_ =	sdelay $0x2  }
0xba: {  	s31 =	sshll.u32 s1, $0xD;
	s1 =	sshrl.u32 s1, $0x2  }
0xbb: {  	s3 =	sand.u32 $0x4000, s31;
	s1 =	sadd.s32 s1, s30  }
0xbc: {  	s0 =	sor.u32 s3, s0;
	s1 =	sshll.u32 s1, $0x11  }
0xbd: {  	s0 =	sor.u32 s1, s0  }
0xbe: {  	s0 =	sadd.s32 $0x8F2B, s0  }
0xbf: {  	[sflag:s0] =	ssyncadd.remote.s32 $0x1  }
0xc0: {  	_ =	sfence.sel $0xFFFF  }
0xc1: {  	[dreg:$0x0] =	wrdreg $0xFFFFFFFF;
	(pc) =	sbr.abs _section_cstart, $3  }
0xc2: {  	[dreg:$0x1] =	wrdreg $0xFFFFFFFF  }
0xc3: {  	_ =	task.clear_ibuf [dreg:s8], $0x2FFFF;
	_ =	strace $0x9FFFFFFF  }
0xc4: {  	(tm) =	ssettm $0x7FFFFFFF  }
0xc5: {  	_ =	shalt  }
tec
execute0_lowered:
.L_overlay_start_1:
0x0: {  	(tag) =	ssettag $0x1  }
0x1: {  	s6 =	rddreg [dreg:$0x0]  }
0x2: {  	s5 =	rddreg [dreg:$0x1]  }
0x3: {  	s1 =	rddreg [dreg:$0x2]  }
0x4: {  	s0 =	rddreg [dreg:$0x3]  }
0x5: {  	s3 =	simm.s32 $0x0;
	s4 =	srdreg.scid;
	s2 =	stileid.u32  }
0x6: {  	s10 =	simm.s32 $0x5;
	s11 =	simm.s32 $0x80;
	s12 =	simm.s32 $0xC800  }
0x7: {  	s13 =	simm.s32 $0x10800;
	s14 =	simm.s32 $0x1;
	s15 =	simm.s32 $0x14800  }
0x8: {  	s16 =	simm.s32 $0x2;
	s17 =	simm.s32 $0x4;
	s18 =	simm.s32 $0x16800  }
0x9: {  	s19 =	simm.s32 $0x3;
	s20 =	simm.s32 $0x0;
	[smem:$0x7FF] =	sst s3  }
.Ltmp0:
0xa: {  	s4 =	sand.u32 $0x1, s4;
	s8 =	sshll.u32 s2, $0xB;
	(pc) =	sbr.rel .LBB2_1-.Ltmp0, $4  }
0xb: {  	s5 =	sadd.s32 $0xF42800, s5;
	s7 =	ssub.s32 $0x2, s4;
	s4 =	sshll.u32 s4, $0xA  }
0xc: {  	_ =	strace $0x80000047;
	s9 =	sshrl.u32 s7, $0x1;
	s4 =	sor.u32 s4, s8  }
0xd: {  	v0 =	vlaneseq.u32;
	s7 =	ssub.s32 s7, s9;
	s8 =	sshrl.u32 s4, $0x3;
	s9 =	simm.s32 $0x8000  }
0xe: {  	v0 =	vmul.u32 $0x80, v0;
	s6 =	sadd.s32 s6, s8;
	s7 =	smax.u32 s7, $0x1;
	s8 =	simm.s32 $0x400  }
.LBB2_18:
0xf: {  	s20 =	sadd.s32 $0x1, s20  }
0x10: {  	_ =	swait.ge [sflag:s19], $0x2000;
	p0 =	sne.s32 s20, s7  }
.Ltmp1:
0x11: {  	[sflag:s19] =	ssyncset.done $0x0;
	(pc) =	sbr.rel @!p0 .LBB2_19-.Ltmp1, $4  }
0x12: {  	[sflag:s19] =	ssyncadd.s32 $0xFFFFE000  }
0x13: {  	_ =	swait.ge [sflag:s17], $0x2000  }
0x14: {  	[sflag:s17] =	ssyncset.done $0x0  }
0x15: {  	[sflag:s17] =	ssyncadd.s32 $0xFFFFE000  }
.LBB2_1:
0x16: {  	[tilespmem:s3], [sflag:$0x5] =	stream.strided.gather [hbm4b:s6+s8], $0x6400, s9, s8, $0x38;
	[tilespmem:$0x18880] =	vst v63  }
0x17: {  	_ =	swait.ge [sflag:s10], $0x6400  }
0x18: {  	[sflag:s10] =	ssyncset.done $0x0  }
0x19: {  	s21 =	simm.s32 $0x0;
	[sflag:s10] =	ssyncadd.s32 $0xFFFF9C00  }
0x1a: {  	v2 =	vld [tilespmem:s21+$0x0]  }
0x1b: {  	v5 =	vld [tilespmem:s21+$0x10]  }
0x1c: {  	v4 =	vld [tilespmem:s21+$0x20]  }
0x1d: {  	v3 =	vld [tilespmem:s21+$0x30]  }
0x1e: {  	v1 =	vld [tilespmem:s21+$0x40]  }
0x1f: {  	s22 =	simm.s32 $0x200;
	v7 =	vshrl.u32 v2, $0x1;
	v6 =	vshll.u32 v2, $0x6;
	v2 =	vld [tilespmem:s21+$0x50]  }
.LBB2_2:
0x20: {  	p0 =	sne.s32 s22, $0x18E00;
	[tilespmem:s21+$0x0] =	vst v7;
	v6 =	vand.u32 $0x40, v6;
	v7 =	vshrl.u32 v5, $0x1;
	v5 =	vshll.u32 v5, $0x6;
	v8 =	vld [tilespmem:s21+$0x60]  }
0x21: {  	[tilespmem:s21+$0x10] =	vst v7;
	v5 =	vand.u32 $0x40, v5;
	v7 =	vshrl.u32 v4, $0x1;
	v4 =	vshll.u32 v4, $0x6;
	v9 =	vld [tilespmem:s21+$0x70]  }
0x22: {  	[tilespmem:s21+$0x20] =	vst v7;
	v4 =	vand.u32 $0x40, v4;
	v7 =	vshrl.u32 v3, $0x1;
	v3 =	vshll.u32 v3, $0x6  }
0x23: {  	[tilespmem:s21+$0x30] =	vst v7;
	v3 =	vand.u32 $0x40, v3;
	v7 =	vshrl.u32 v1, $0x1;
	v1 =	vshll.u32 v1, $0x6  }
0x24: {  	[tilespmem:s21+$0x40] =	vst v7;
	v1 =	vand.u32 $0x40, v1;
	v7 =	vshrl.u32 v2, $0x1;
	v2 =	vshll.u32 v2, $0x6  }
0x25: {  	[tilespmem:s21+$0x50] =	vst v7;
	v2 =	vand.u32 $0x40, v2;
	v7 =	vshrl.u32 v8, $0x1;
	v8 =	vshll.u32 v8, $0x6  }
0x26: {  	[tilespmem:s21+$0x60] =	vst v7;
	v7 =	vand.u32 $0x40, v8;
	v8 =	vshrl.u32 v9, $0x1;
	v9 =	vshll.u32 v9, $0x6  }
0x27: {  	[tilespmem:s21+$0x70] =	vst v8;
	v8 =	vand.u32 $0x40, v9  }
0x28: {  	[tilespmem:s21+$0x6400] =	vst v6  }
0x29: {  	s23 =	sshra.s32 s22, $0x2;
	[tilespmem:s21+$0x6410] =	vst v5  }
0x2a: {  	v6 =	vld [tilespmem:s23+$0x0];
	[tilespmem:s21+$0x6420] =	vst v4  }
.Ltmp2:
0x2b: {  	v5 =	vld [tilespmem:s23+$0x10];
	[tilespmem:s21+$0x6430] =	vst v3;
	(pc) =	sbr.rel @p0 .LBB2_2-.Ltmp2, $4  }
0x2c: {  	v4 =	vld [tilespmem:s23+$0x20];
	[tilespmem:s21+$0x6440] =	vst v1  }
0x2d: {  	v3 =	vld [tilespmem:s23+$0x30];
	[tilespmem:s21+$0x6450] =	vst v2  }
0x2e: {  	v1 =	vld [tilespmem:s23+$0x40];
	[tilespmem:s21+$0x6460] =	vst v7  }
0x2f: {  	s22 =	sadd.s32 $0x200, s22;
	v7 =	vshrl.u32 v6, $0x1;
	v6 =	vshll.u32 v6, $0x6;
	v2 =	vld [tilespmem:s23+$0x50];
	[tilespmem:s21+$0x6470] =	vst v8;
	s21 =	smov.u32 s23  }
0x30: {  	[tilespmem:s21+$0x0] =	vst v7;
	v55 =	vshrl.u32 v5, $0x1  }
0x31: {  	v6 =	vand.u32 $0x40, v6;
	[tilespmem:s21+$0x10] =	vst v55  }
0x32: {  	v62 =	vshll.u32 v5, $0x6;
	v56 =	vshrl.u32 v4, $0x1;
	[tilespmem:s21+$0x6400] =	vst v6  }
0x33: {  	v5 =	vand.u32 $0x40, v62;
	[tilespmem:s21+$0x20] =	vst v56  }
0x34: {  	v63 =	vshll.u32 v4, $0x6;
	v57 =	vshrl.u32 v3, $0x1;
	[tilespmem:s21+$0x6410] =	vst v5  }
0x35: {  	v8 =	vld [tilespmem:s21+$0x60];
	v4 =	vand.u32 $0x40, v63;
	[tilespmem:s21+$0x30] =	vst v57  }
0x36: {  	v9 =	vld [tilespmem:s21+$0x70];
	v3 =	vshll.u32 v3, $0x6;
	v58 =	vshrl.u32 v1, $0x1;
	[tilespmem:s21+$0x6420] =	vst v4  }
0x37: {  	v3 =	vand.u32 $0x40, v3;
	[tilespmem:s21+$0x40] =	vst v58  }
0x38: {  	v1 =	vshll.u32 v1, $0x6;
	v59 =	vshrl.u32 v2, $0x1;
	[tilespmem:s21+$0x6430] =	vst v3  }
0x39: {  	v1 =	vand.u32 $0x40, v1;
	[tilespmem:s21+$0x50] =	vst v59  }
0x3a: {  	v60 =	vshrl.u32 v8, $0x1;
	[tilespmem:s21+$0x6440] =	vst v1  }
0x3b: {  	v2 =	vshll.u32 v2, $0x6;
	v61 =	vshrl.u32 v9, $0x1;
	[tilespmem:s21+$0x60] =	vst v60  }
0x3c: {  	v2 =	vand.u32 $0x40, v2;
	v3 =	vshll.u32 v8, $0x6;
	[tilespmem:s21+$0x70] =	vst v61  }
0x3d: {  	v1 =	vand.u32 $0x40, v3;
	v3 =	vshll.u32 v9, $0x6;
	[tilespmem:s21+$0x6450] =	vst v2  }
0x3e: {  	v2 =	vand.u32 $0x40, v3;
	[tilespmem:s21+$0x6460] =	vst v1  }
0x3f: {  	[tilespmem:s21+$0x6470] =	vst v2;
	s21 =	simm.s32 $0x0  }
0x40: {  	[tilespmem:s12], [sflag:$0x1] =	stream.indirect.gather [hbm4b:s5+s11], $0x80, s21, s11, $0xb8;
	[tilespmem:$0x18880] =	vst v63  }
0x41: {  	_ = 	snop  }
0x42: {  	[tilespmem:s13], [sflag:$0x2] =	stream.indirect.gather [hbm4b:s5+s11], $0x80, s11, s11, $0xb8;
	[tilespmem:$0x18880] =	vst v63  }
.LBB2_4:
0x43: {  	_ =	swait.ge [sflag:s14], $0x4000  }
0x44: {  	p0 =	seq.s32 s21, $0x0;
	[sflag:s14] =	ssyncset.done $0x0  }
0x45: {  	s22 =	sshll.u32 s21, $0xA;
	s24 =	simm.s32 @!p0 $0x3;
	[sflag:s14] =	ssyncadd.s32 $0xFFFFC000  }
0x46: {  	s22 =	sshrl.u32 s22, $0x2;
	_ =	swait.ge @!p0 [sflag:s24], $0x2000  }
0x47: {  	s23 =	sshllo.u32 s21, $0x1;
	s25 =	sadd.s32 $0x6400, s22;
	[sflag:s24] =	ssyncset.done @!p0 $0x0  }
0x48: {  	v1 =	vmov s25;
	s25 =	simm.s32 $0x0;
	[sflag:s24] =	ssyncadd.s32 @!p0 $0xFFFFE000;
	s24 =	simm.s32 $0x14A00  }
.LBB2_5:
0x49: {  	_ =	sdelay $0x2  }
0x4a: {  	s26 =	sshll.u32 s25, $0x4  }
0x4b: {  	v3 =	vld.idx.msk [tilespmem:v1+s26+$0x0 ss:$0x1], $0xffff;
	_ =	sdelay $0x1  }
0x4c: {  	v2 =	vmov s26  }
0x4d: {  	v2 =	vshll.u32 v2, $0x7  }
0x4e: {  	v2 =	vor.u32 v0, v2  }
0x4f: {  	v4 =	vand.u32 $0xFFFFFF80, v3;
	v5 =	vand.u32 $0x7F, v3;
	v6 =	vadd.s32 $0x3, v3  }
0x50: {  	v7 =	vadd.s32 $0x6, v3;
	v8 =	vadd.s32 $0x7, v3;
	v9 =	vadd.s32 $0x5, v3  }
0x51: {  	v10 =	vadd.s32 $0x1, v3;
	v11 =	vadd.s32 $0x2, v3;
	v4 =	vadd.s32 v2, v4  }
0x52: {  	v12 =	vand.u32 $0x7F, v7;
	v13 =	vand.u32 $0xFFFFFF80, v10;
	v14 =	vand.u32 $0xFFFFFF80, v11  }
0x53: {  	v15 =	vand.u32 $0x7F, v8;
	v11 =	vand.u32 $0x7F, v11;
	v8 =	vand.u32 $0xFFFFFF80, v8  }
0x54: {  	v10 =	vand.u32 $0x7F, v10;
	v7 =	vand.u32 $0xFFFFFF80, v7;
	v4 =	vor.u32 v5, v4  }
0x55: {  	v5 =	vadd.s32 $0x4, v3;
	v14 =	vadd.s32 v2, v14;
	v13 =	vadd.s32 v2, v13  }
0x56: {  	v14 =	vor.u32 v11, v14;
	v11 =	vand.u32 $0x7F, v9;
	v9 =	vand.u32 $0xFFFFFF80, v9  }
0x57: {  	v7 =	vadd.s32 v2, v7;
	v8 =	vadd.s32 v2, v8;
	v9 =	vadd.s32 v2, v9  }
0x58: {  	v3 =	vadd.s32 $0x8, v3;
	v7 =	vor.u32 v12, v7;
	v9 =	vor.u32 v11, v9  }
0x59: {  	v12 =	vor.u32 v15, v8;
	v16 =	vld.idx.msk [tilespmem:v4+s12+$0x0], $0xffff;
	v4 =	vor.u32 v10, v13;
	v10 =	vand.u32 $0xFFFFFF80, v5  }
0x5a: {  	v11 =	vand.u32 $0xFFFFFF80, v6;
	v5 =	vand.u32 $0x7F, v5;
	v10 =	vadd.s32 v2, v10  }
0x5b: {  	v6 =	vand.u32 $0x7F, v6;
	v8 =	vor.u32 v5, v10;
	v10 =	vadd.s32 v2, v11  }
0x5c: {  	v13 =	vand.u32 $0xFFFFFF80, v3;
	v5 =	vld.idx.msk [tilespmem:v14+s12+$0x0], $0xffff;
	v15 =	vor.u32 v6, v10  }
0x5d: {  	v17 =	vadd.s32 $0x7, v3;
	v13 =	vadd.s32 v2, v13;
	v14 =	vadd.s32 $0x6, v3;
	v6 =	vld.idx.msk [tilespmem:v9+s12+$0x0], $0xffff  }
0x5e: {  	v10 =	vadd.s32 $0x3, v3;
	v9 =	vld.idx.msk [tilespmem:v7+s12+$0x0], $0xffff;
	v11 =	vmul.f32 $8.000000000e+00, v16;
	v16 =	vand.u32 $0x7F, v3  }
0x5f: {  	s30 =	simm.s32 $0x8;
	s28 =	smov.u32 s24;
	s29 =	smov.u32 s24;
	v7 =	vld.idx.msk [tilespmem:v12+s12+$0x0], $0xffff;
	v12 =	vor.u32 v16, v13;
	v13 =	vadd.s32 $0x4, v3;
	v16 =	vadd.s32 $0x5, v3  }
.LBB2_6:
0x60: {  	s30 =	sadd.s32 $0x8, s30;
	v18 =	vadd.s32 $0x1, v3;
	v19 =	vadd.s32 $0x2, v3;
	v20 =	vand.u32 $0x7F, v14;
	[tilespmem:s28+$0xFFFFFE00] =	vst v11;
	s29 =	sadd.s32 $0x400, s29  }
0x61: {  	v22 =	vand.u32 $0x7F, v17;
	p1 =	slt.u32 s30, $0x38;
	v11 =	vand.u32 $0xFFFFFF80, v18;
	v21 =	vand.u32 $0xFFFFFF80, v19;
	v15 =	vld.idx.msk [tilespmem:v15+s12+$0x0], $0xffff  }
0x62: {  	v17 =	vand.u32 $0xFFFFFF80, v17;
	v19 =	vand.u32 $0x7F, v19;
	v21 =	vadd.s32 v2, v21  }
0x63: {  	v11 =	vadd.s32 v2, v11;
	v19 =	vor.u32 v19, v21;
	v21 =	vand.u32 $0x7F, v16;
	v23 =	vld.idx.msk [tilespmem:v8+s12+$0x0], $0xffff  }
0x64: {  	v14 =	vand.u32 $0xFFFFFF80, v14;
	v8 =	vand.u32 $0x7F, v18;
	v16 =	vand.u32 $0xFFFFFF80, v16;
	v12 =	vld.idx.msk [tilespmem:v12+s12+$0x0], $0xffff  }
0x65: {  	v18 =	vand.u32 $0xFFFFFF80, v13;
	v13 =	vand.u32 $0x7F, v13;
	v24 =	vld.idx.msk [tilespmem:v4+s12+$0x0], $0xffff;
	v4 =	vor.u32 v8, v11  }
0x66: {  	v14 =	vadd.s32 v2, v14;
	v8 =	vadd.s32 v2, v18;
	v11 =	vadd.s32 v2, v16  }
0x67: {  	v8 =	vor.u32 v13, v8;
	v13 =	vor.u32 v21, v11;
	v11 =	vmul.f32 $8.000000000e+00, v15  }
0x68: {  	v14 =	vor.u32 v20, v14;
	v9 =	vmul.f32 $8.000000000e+00, v9;
	v15 =	vadd.s32 v2, v17  }
0x69: {  	v16 =	vor.u32 v22, v15;
	v15 =	vmul.f32 $8.000000000e+00, v5;
	v17 =	vmul.f32 $8.000000000e+00, v23;
	[tilespmem:s28+$0xFFFFFF80] =	vst v11  }
0x6a: {  	v18 =	vmul.f32 $8.000000000e+00, v6;
	v11 =	vmul.f32 $8.000000000e+00, v12;
	v12 =	vand.u32 $0xFFFFFF80, v10;
	v5 =	vld.idx.msk [tilespmem:v19+s12+$0x0], $0xffff;
	[tilespmem:s28+$0x100] =	vst v9  }
.Ltmp3:
0x6b: {  	v6 =	vand.u32 $0x7F, v10;
	v9 =	vadd.s32 v2, v12;
	v19 =	vmul.f32 $8.000000000e+00, v24;
	[tilespmem:s28+$0xFFFFFF00] =	vst v15;
	(pc) =	sbr.rel @p1 .LBB2_6-.Ltmp3, $4  }
0x6c: {  	v3 =	vadd.s32 $0x8, v3;
	v12 =	vmul.f32 $8.000000000e+00, v7;
	v15 =	vor.u32 v6, v9;
	v6 =	vld.idx.msk [tilespmem:v13+s12+$0x0], $0xffff;
	[tilespmem:s28+$0x80] =	vst v18  }
0x6d: {  	v10 =	vadd.s32 $0x3, v3;
	v7 =	vand.u32 $0xFFFFFF80, v3;
	v13 =	vand.u32 $0x7F, v3;
	v9 =	vld.idx.msk [tilespmem:v14+s12+$0x0], $0xffff;
	[tilespmem:s28+$0x0] =	vst v17  }
0x6e: {  	v18 =	vadd.s32 v2, v7;
	v14 =	vadd.s32 $0x6, v3;
	v17 =	vadd.s32 $0x7, v3;
	v7 =	vld.idx.msk [tilespmem:v16+s12+$0x0], $0xffff;
	[tilespmem:s28+$0x180] =	vst v12  }
0x6f: {  	v12 =	vor.u32 v13, v18;
	v13 =	vadd.s32 $0x4, v3;
	v16 =	vadd.s32 $0x5, v3;
	[tilespmem:s28+$0xFFFFFE80] =	vst v19;
	s28 =	smov.u32 s29  }
0x70: {  	v18 =	vadd.s32 $0x1, v3;
	v19 =	vadd.s32 $0x2, v3;
	v20 =	vand.u32 $0x7F, v14  }
0x71: {  	v23 =	vand.u32 $0x7F, v17;
	v40 =	vand.u32 $0xFFFFFF80, v17;
	v41 =	vand.u32 $0xFFFFFF80, v10  }
0x72: {  	v42 =	vand.u32 $0xFFFFFF80, v14;
	v43 =	vand.u32 $0x7F, v10;
	v44 =	vand.u32 $0x7F, v16  }
0x73: {  	v45 =	vand.u32 $0xFFFFFF80, v16;
	v46 =	vand.u32 $0xFFFFFF80, v13;
	v47 =	vand.u32 $0x7F, v13  }
0x74: {  	v5 =	vmul.f32 $8.000000000e+00, v5;
	v21 =	vand.u32 $0xFFFFFF80, v18;
	v14 =	vadd.s32 v2, v42  }
0x75: {  	v22 =	vand.u32 $0xFFFFFF80, v19;
	v16 =	vadd.s32 v2, v45;
	v14 =	vor.u32 v20, v14  }
0x76: {  	v15 =	vld.idx.msk [tilespmem:v15+s12+$0x0], $0xffff;
	v19 =	vand.u32 $0x7F, v19;
	v48 =	vadd.s32 v2, v46;
	v16 =	vor.u32 v44, v16  }
0x77: {  	v8 =	vld.idx.msk [tilespmem:v8+s12+$0x0], $0xffff;
	[tilespmem:s28+$0xFFFFFE00] =	vst v11;
	v49 =	vand.u32 $0x7F, v18;
	v22 =	vadd.s32 v2, v22;
	v11 =	vor.u32 v47, v48  }
0x78: {  	v4 =	vld.idx.msk [tilespmem:v4+s12+$0x0], $0xffff;
	v6 =	vmul.f32 $8.000000000e+00, v6;
	v21 =	vadd.s32 v2, v21;
	v19 =	vor.u32 v19, v22  }
0x79: {  	v12 =	vld.idx.msk [tilespmem:v12+s12+$0x0], $0xffff;
	v9 =	vmul.f32 $8.000000000e+00, v9;
	[tilespmem:s28+$0xFFFFFF00] =	vst v5;
	v22 =	vadd.s32 v2, v41;
	v51 =	vor.u32 v49, v21  }
0x7a: {  	v2 =	vadd.s32 v2, v40;
	[tilespmem:s28+$0x80] =	vst v6;
	v54 =	vmul.f32 $8.000000000e+00, v7;
	v10 =	vor.u32 v43, v22;
	v52 =	vld.idx.msk [tilespmem:v14+s12+$0x0], $0xffff  }
0x7b: {  	v2 =	vor.u32 v23, v2;
	[tilespmem:s28+$0x100] =	vst v9;
	v15 =	vmul.f32 $8.000000000e+00, v15;
	v55 =	vld.idx.msk [tilespmem:v16+s12+$0x0], $0xffff  }
0x7c: {  	v8 =	vmul.f32 $8.000000000e+00, v8;
	[tilespmem:s28+$0x180] =	vst v54;
	v57 =	vld.idx.msk [tilespmem:v11+s12+$0x0], $0xffff  }
0x7d: {  	v4 =	vmul.f32 $8.000000000e+00, v4;
	[tilespmem:s28+$0xFFFFFF80] =	vst v15;
	v53 =	vld.idx.msk [tilespmem:v19+s12+$0x0], $0xffff  }
0x7e: {  	v56 =	vmul.f32 $8.000000000e+00, v12;
	[tilespmem:s28+$0x0] =	vst v8;
	v59 =	vld.idx.msk [tilespmem:v51+s12+$0x0], $0xffff  }
0x7f: {  	s29 =	sadd.s32 $0x400, s29;
	[tilespmem:s28+$0xFFFFFE80] =	vst v4;
	v50 =	vld.idx.msk [tilespmem:v10+s12+$0x0], $0xffff;
	v5 =	vmul.f32 $8.000000000e+00, v52  }
0x80: {  	[tilespmem:s29+$0xFFFFFE00] =	vst v56;
	v2 =	vld.idx.msk [tilespmem:v2+s12+$0x0], $0xffff;
	v61 =	vmul.f32 $8.000000000e+00, v55  }
0x81: {  	v62 =	vmul.f32 $8.000000000e+00, v57;
	[tilespmem:s29+$0x100] =	vst v5  }
0x82: {  	s25 =	sadd.s32 $0x1, s25;
	v60 =	vmul.f32 $8.000000000e+00, v53;
	[tilespmem:s29+$0x80] =	vst v61  }
0x83: {  	p1 =	sne.s32 s25, $0x8;
	v63 =	vmul.f32 $8.000000000e+00, v59;
	[tilespmem:s29+$0x0] =	vst v62  }
.Ltmp4:
0x84: {  	v58 =	vmul.f32 $8.000000000e+00, v50;
	[tilespmem:s29+$0xFFFFFF00] =	vst v60;
	(pc) =	sbr.rel @p1 .LBB2_5-.Ltmp4, $4  }
0x85: {  	v2 =	vmul.f32 $8.000000000e+00, v2;
	[tilespmem:s29+$0xFFFFFE80] =	vst v63  }
0x86: {  	[tilespmem:s29+$0xFFFFFF80] =	vst v58  }
0x87: {  	[tilespmem:s29+$0x180] =	vst v2;
	v2 =	vadd.s32 $0x8, v3  }
0x88: {  	s24 =	sadd.s32 $0x10, s24;
	[tilespmem:s26+$0x18800] =	vst v2  }
0x89: {  	p1 =	sne.s32 s21, $0x63  }
.Ltmp5:
0x8a: {  	s24 =	sshll.u32 s21, $0x13;
	(pc) =	sbr.rel @p1 .LBB2_10-.Ltmp5, $4  }
0x8b: {  	s24 =	sor.u32 s4, s24  }
0x8c: {  	s24 =	sshrl.u32 s24, $0x3  }
0x8d: {  	s24 =	sadd.s32 s1, s24  }
0x8e: {  	[hbm4b:s24+s8] =	stream.strided.scatter [tilespmem:s15], [sflag:$0x3], $0x2000, s9, s8, $0x38;
	[tilespmem:$0x18880] =	vst v63  }
.Ltmp6:
0x8f: {  	(pc) =	sbr.rel .LBB2_11-.Ltmp6, $4  }
0x90: {  	_ = 	snop  }
0x91: {  	_ =	swait.ge [sflag:s16], $0x4000  }
0x92: {  	[sflag:s16] =	ssyncset.done $0x0  }
0x93: {  	[sflag:s16] =	ssyncadd.s32 $0xFFFFC000  }
.LBB2_10:
.Ltmp7:
0x94: {  	s24 =	sadd.s32 $0x100, s22;
	(pc) =	sbr.rel @p0 .LBB2_12-.Ltmp7, $4  }
0x95: {  	[tilespmem:s12], [sflag:$0x1] =	stream.indirect.gather [hbm4b:s5+s11], $0x80, s24, s11, $0xb8;
	[tilespmem:$0x18880] =	vst v63  }
0x96: {  	_ =	swait.ge [sflag:s16], $0x4000  }
0x97: {  	[sflag:s16] =	ssyncset.done $0x0  }
0x98: {  	[sflag:s16] =	ssyncadd.s32 $0xFFFFC000  }
.LBB2_11:
0x99: {  	_ =	swait.ge [sflag:s17], $0x2000  }
0x9a: {  	[sflag:s17] =	ssyncset.done $0x0  }
0x9b: {  	[sflag:s17] =	ssyncadd.s32 $0xFFFFE000  }
.LBB2_12:
0x9c: {  	s24 =	sshll.u32 s23, $0x7  }
0x9d: {  	s24 =	sand.u32 $0x3FFFFF80, s24  }
0x9e: {  	s26 =	sadd.s32 $0x6400, s24  }
0x9f: {  	s25 =	simm.s32 $0x16A00;
	s24 =	simm.s32 $0x0;
	v1 =	vmov s26  }
.LBB2_13:
0xa0: {  	_ =	sdelay $0x2  }
0xa1: {  	s26 =	sshll.u32 s24, $0x4  }
0xa2: {  	v3 =	vld.idx.msk [tilespmem:v1+s26+$0x0 ss:$0x1], $0xffff;
	_ =	sdelay $0x1  }
0xa3: {  	v2 =	vmov s26  }
0xa4: {  	v2 =	vshll.u32 v2, $0x7  }
0xa5: {  	v2 =	vor.u32 v0, v2  }
0xa6: {  	v4 =	vand.u32 $0xFFFFFF80, v3;
	v5 =	vand.u32 $0x7F, v3;
	v6 =	vadd.s32 $0x3, v3  }
0xa7: {  	v7 =	vadd.s32 $0x6, v3;
	v8 =	vadd.s32 $0x7, v3;
	v9 =	vadd.s32 $0x5, v3  }
0xa8: {  	v10 =	vadd.s32 $0x1, v3;
	v11 =	vadd.s32 $0x2, v3;
	v4 =	vadd.s32 v2, v4  }
0xa9: {  	v12 =	vand.u32 $0x7F, v7;
	v13 =	vand.u32 $0xFFFFFF80, v10;
	v14 =	vand.u32 $0xFFFFFF80, v11  }
0xaa: {  	v15 =	vand.u32 $0x7F, v8;
	v11 =	vand.u32 $0x7F, v11;
	v8 =	vand.u32 $0xFFFFFF80, v8  }
0xab: {  	v10 =	vand.u32 $0x7F, v10;
	v7 =	vand.u32 $0xFFFFFF80, v7;
	v4 =	vor.u32 v5, v4  }
0xac: {  	v5 =	vadd.s32 $0x4, v3;
	v14 =	vadd.s32 v2, v14;
	v13 =	vadd.s32 v2, v13  }
0xad: {  	v14 =	vor.u32 v11, v14;
	v11 =	vand.u32 $0x7F, v9;
	v9 =	vand.u32 $0xFFFFFF80, v9  }
0xae: {  	v7 =	vadd.s32 v2, v7;
	v8 =	vadd.s32 v2, v8;
	v9 =	vadd.s32 v2, v9  }
0xaf: {  	v3 =	vadd.s32 $0x8, v3;
	v7 =	vor.u32 v12, v7;
	v9 =	vor.u32 v11, v9  }
0xb0: {  	v12 =	vor.u32 v15, v8;
	v16 =	vld.idx.msk [tilespmem:v4+s13+$0x0], $0xffff;
	v4 =	vor.u32 v10, v13;
	v10 =	vand.u32 $0xFFFFFF80, v5  }
0xb1: {  	v11 =	vand.u32 $0xFFFFFF80, v6;
	v5 =	vand.u32 $0x7F, v5;
	v10 =	vadd.s32 v2, v10  }
0xb2: {  	v6 =	vand.u32 $0x7F, v6;
	v8 =	vor.u32 v5, v10;
	v10 =	vadd.s32 v2, v11  }
0xb3: {  	v13 =	vand.u32 $0xFFFFFF80, v3;
	v5 =	vld.idx.msk [tilespmem:v14+s13+$0x0], $0xffff;
	v15 =	vor.u32 v6, v10  }
0xb4: {  	v17 =	vadd.s32 $0x7, v3;
	v13 =	vadd.s32 v2, v13;
	v14 =	vadd.s32 $0x6, v3;
	v6 =	vld.idx.msk [tilespmem:v9+s13+$0x0], $0xffff  }
0xb5: {  	v10 =	vadd.s32 $0x3, v3;
	v9 =	vld.idx.msk [tilespmem:v7+s13+$0x0], $0xffff;
	v11 =	vmul.f32 $8.000000000e+00, v16;
	v16 =	vand.u32 $0x7F, v3  }
0xb6: {  	s30 =	simm.s32 $0x8;
	s28 =	smov.u32 s25;
	s29 =	smov.u32 s25;
	v7 =	vld.idx.msk [tilespmem:v12+s13+$0x0], $0xffff;
	v12 =	vor.u32 v16, v13;
	v13 =	vadd.s32 $0x4, v3;
	v16 =	vadd.s32 $0x5, v3  }
.LBB2_14:
0xb7: {  	s30 =	sadd.s32 $0x8, s30;
	v18 =	vadd.s32 $0x1, v3;
	v19 =	vadd.s32 $0x2, v3;
	v20 =	vand.u32 $0x7F, v14;
	[tilespmem:s28+$0xFFFFFE00] =	vst v11;
	s29 =	sadd.s32 $0x400, s29  }
0xb8: {  	v22 =	vand.u32 $0x7F, v17;
	p0 =	slt.u32 s30, $0x38;
	v11 =	vand.u32 $0xFFFFFF80, v18;
	v21 =	vand.u32 $0xFFFFFF80, v19;
	v15 =	vld.idx.msk [tilespmem:v15+s13+$0x0], $0xffff  }
0xb9: {  	v17 =	vand.u32 $0xFFFFFF80, v17;
	v19 =	vand.u32 $0x7F, v19;
	v21 =	vadd.s32 v2, v21  }
0xba: {  	v11 =	vadd.s32 v2, v11;
	v19 =	vor.u32 v19, v21;
	v21 =	vand.u32 $0x7F, v16;
	v23 =	vld.idx.msk [tilespmem:v8+s13+$0x0], $0xffff  }
0xbb: {  	v14 =	vand.u32 $0xFFFFFF80, v14;
	v8 =	vand.u32 $0x7F, v18;
	v16 =	vand.u32 $0xFFFFFF80, v16;
	v12 =	vld.idx.msk [tilespmem:v12+s13+$0x0], $0xffff  }
0xbc: {  	v18 =	vand.u32 $0xFFFFFF80, v13;
	v13 =	vand.u32 $0x7F, v13;
	v24 =	vld.idx.msk [tilespmem:v4+s13+$0x0], $0xffff;
	v4 =	vor.u32 v8, v11  }
0xbd: {  	v14 =	vadd.s32 v2, v14;
	v8 =	vadd.s32 v2, v18;
	v11 =	vadd.s32 v2, v16  }
0xbe: {  	v8 =	vor.u32 v13, v8;
	v13 =	vor.u32 v21, v11;
	v11 =	vmul.f32 $8.000000000e+00, v15  }
0xbf: {  	v14 =	vor.u32 v20, v14;
	v9 =	vmul.f32 $8.000000000e+00, v9;
	v15 =	vadd.s32 v2, v17  }
0xc0: {  	v16 =	vor.u32 v22, v15;
	v15 =	vmul.f32 $8.000000000e+00, v5;
	v17 =	vmul.f32 $8.000000000e+00, v23;
	[tilespmem:s28+$0xFFFFFF80] =	vst v11  }
0xc1: {  	v18 =	vmul.f32 $8.000000000e+00, v6;
	v11 =	vmul.f32 $8.000000000e+00, v12;
	v12 =	vand.u32 $0xFFFFFF80, v10;
	v5 =	vld.idx.msk [tilespmem:v19+s13+$0x0], $0xffff;
	[tilespmem:s28+$0x100] =	vst v9  }
.Ltmp8:
0xc2: {  	v6 =	vand.u32 $0x7F, v10;
	v9 =	vadd.s32 v2, v12;
	v19 =	vmul.f32 $8.000000000e+00, v24;
	[tilespmem:s28+$0xFFFFFF00] =	vst v15;
	(pc) =	sbr.rel @p0 .LBB2_14-.Ltmp8, $4  }
0xc3: {  	v3 =	vadd.s32 $0x8, v3;
	v12 =	vmul.f32 $8.000000000e+00, v7;
	v15 =	vor.u32 v6, v9;
	v6 =	vld.idx.msk [tilespmem:v13+s13+$0x0], $0xffff;
	[tilespmem:s28+$0x80] =	vst v18  }
0xc4: {  	v10 =	vadd.s32 $0x3, v3;
	v7 =	vand.u32 $0xFFFFFF80, v3;
	v13 =	vand.u32 $0x7F, v3;
	v9 =	vld.idx.msk [tilespmem:v14+s13+$0x0], $0xffff;
	[tilespmem:s28+$0x0] =	vst v17  }
0xc5: {  	v18 =	vadd.s32 v2, v7;
	v14 =	vadd.s32 $0x6, v3;
	v17 =	vadd.s32 $0x7, v3;
	v7 =	vld.idx.msk [tilespmem:v16+s13+$0x0], $0xffff;
	[tilespmem:s28+$0x180] =	vst v12  }
0xc6: {  	v12 =	vor.u32 v13, v18;
	v13 =	vadd.s32 $0x4, v3;
	v16 =	vadd.s32 $0x5, v3;
	[tilespmem:s28+$0xFFFFFE80] =	vst v19;
	s28 =	smov.u32 s29  }
0xc7: {  	v18 =	vadd.s32 $0x1, v3;
	v19 =	vadd.s32 $0x2, v3;
	v20 =	vand.u32 $0x7F, v14  }
0xc8: {  	v23 =	vand.u32 $0x7F, v17;
	v40 =	vand.u32 $0xFFFFFF80, v17;
	v41 =	vand.u32 $0xFFFFFF80, v10  }
0xc9: {  	v42 =	vand.u32 $0xFFFFFF80, v14;
	v43 =	vand.u32 $0x7F, v10;
	v44 =	vand.u32 $0x7F, v16  }
0xca: {  	v45 =	vand.u32 $0xFFFFFF80, v16;
	v46 =	vand.u32 $0xFFFFFF80, v13;
	v47 =	vand.u32 $0x7F, v13  }
0xcb: {  	v5 =	vmul.f32 $8.000000000e+00, v5;
	v21 =	vand.u32 $0xFFFFFF80, v18;
	v14 =	vadd.s32 v2, v42  }
0xcc: {  	v22 =	vand.u32 $0xFFFFFF80, v19;
	v16 =	vadd.s32 v2, v45;
	v14 =	vor.u32 v20, v14  }
0xcd: {  	v15 =	vld.idx.msk [tilespmem:v15+s13+$0x0], $0xffff;
	v19 =	vand.u32 $0x7F, v19;
	v48 =	vadd.s32 v2, v46;
	v16 =	vor.u32 v44, v16  }
0xce: {  	v8 =	vld.idx.msk [tilespmem:v8+s13+$0x0], $0xffff;
	[tilespmem:s28+$0xFFFFFE00] =	vst v11;
	v49 =	vand.u32 $0x7F, v18;
	v22 =	vadd.s32 v2, v22;
	v11 =	vor.u32 v47, v48  }
0xcf: {  	v4 =	vld.idx.msk [tilespmem:v4+s13+$0x0], $0xffff;
	v6 =	vmul.f32 $8.000000000e+00, v6;
	v21 =	vadd.s32 v2, v21;
	v19 =	vor.u32 v19, v22  }
0xd0: {  	v12 =	vld.idx.msk [tilespmem:v12+s13+$0x0], $0xffff;
	v9 =	vmul.f32 $8.000000000e+00, v9;
	[tilespmem:s28+$0xFFFFFF00] =	vst v5;
	v22 =	vadd.s32 v2, v41;
	v51 =	vor.u32 v49, v21  }
0xd1: {  	v2 =	vadd.s32 v2, v40;
	[tilespmem:s28+$0x80] =	vst v6;
	v54 =	vmul.f32 $8.000000000e+00, v7;
	v10 =	vor.u32 v43, v22;
	v52 =	vld.idx.msk [tilespmem:v14+s13+$0x0], $0xffff  }
0xd2: {  	v2 =	vor.u32 v23, v2;
	[tilespmem:s28+$0x100] =	vst v9;
	v15 =	vmul.f32 $8.000000000e+00, v15;
	v55 =	vld.idx.msk [tilespmem:v16+s13+$0x0], $0xffff  }
0xd3: {  	v8 =	vmul.f32 $8.000000000e+00, v8;
	[tilespmem:s28+$0x180] =	vst v54;
	v57 =	vld.idx.msk [tilespmem:v11+s13+$0x0], $0xffff  }
0xd4: {  	v4 =	vmul.f32 $8.000000000e+00, v4;
	[tilespmem:s28+$0xFFFFFF80] =	vst v15;
	v53 =	vld.idx.msk [tilespmem:v19+s13+$0x0], $0xffff  }
0xd5: {  	v56 =	vmul.f32 $8.000000000e+00, v12;
	[tilespmem:s28+$0x0] =	vst v8;
	v59 =	vld.idx.msk [tilespmem:v51+s13+$0x0], $0xffff  }
0xd6: {  	s29 =	sadd.s32 $0x400, s29;
	[tilespmem:s28+$0xFFFFFE80] =	vst v4;
	v50 =	vld.idx.msk [tilespmem:v10+s13+$0x0], $0xffff;
	v5 =	vmul.f32 $8.000000000e+00, v52  }
0xd7: {  	[tilespmem:s29+$0xFFFFFE00] =	vst v56;
	v2 =	vld.idx.msk [tilespmem:v2+s13+$0x0], $0xffff;
	v61 =	vmul.f32 $8.000000000e+00, v55  }
0xd8: {  	v62 =	vmul.f32 $8.000000000e+00, v57;
	[tilespmem:s29+$0x100] =	vst v5  }
0xd9: {  	s24 =	sadd.s32 $0x1, s24;
	v60 =	vmul.f32 $8.000000000e+00, v53;
	[tilespmem:s29+$0x80] =	vst v61  }
0xda: {  	p0 =	sne.s32 s24, $0x8;
	v63 =	vmul.f32 $8.000000000e+00, v59;
	[tilespmem:s29+$0x0] =	vst v62  }
.Ltmp9:
0xdb: {  	v58 =	vmul.f32 $8.000000000e+00, v50;
	[tilespmem:s29+$0xFFFFFF00] =	vst v60;
	(pc) =	sbr.rel @p0 .LBB2_13-.Ltmp9, $4  }
0xdc: {  	v2 =	vmul.f32 $8.000000000e+00, v2;
	[tilespmem:s29+$0xFFFFFE80] =	vst v63  }
0xdd: {  	[tilespmem:s29+$0xFFFFFF80] =	vst v58  }
0xde: {  	[tilespmem:s29+$0x180] =	vst v2;
	v2 =	vadd.s32 $0x8, v3  }
0xdf: {  	s25 =	sadd.s32 $0x10, s25;
	[tilespmem:s26+$0x18800] =	vst v2  }
0xe0: {  	p0 =	seq.s32 s21, $0x63  }
.Ltmp10:
0xe1: {  	s23 =	sshll.u32 s23, $0x12;
	(pc) =	sbr.rel @p0 .LBB2_18-.Ltmp10, $4  }
0xe2: {  	s23 =	sor.u32 s4, s23  }
0xe3: {  	s23 =	sshrl.u32 s23, $0x3  }
0xe4: {  	s23 =	sadd.s32 s1, s23  }
0xe5: {  	[hbm4b:s23+s8] =	stream.strided.scatter [tilespmem:s18], [sflag:$0x4], $0x2000, s9, s8, $0x38;
	[tilespmem:$0x18880] =	vst v63  }
.Ltmp11:
0xe6: {  	(pc) =	sbr.rel .LBB2_4-.Ltmp11, $3  }
0xe7: {  	_ =	sdelay $0x1  }
0xe8: {  	s22 =	sadd.s32 $0x180, s22;
	s21 =	sadd.s32 $0x1, s21  }
0xe9: {  	[tilespmem:s13], [sflag:$0x2] =	stream.indirect.gather [hbm4b:s5+s11], $0x80, s22, s11, $0xb8;
	[tilespmem:$0x18880] =	vst v63  }
.LBB2_19:
0xea: {  	_ =	sfence.sel $0x180000  }
0xeb: {  	[bflag:$0x0] =	sbarrier.arrive $0xFFFF  }
0xec: {  	p0 =	sne.s32 s2, $0x0;
	_ =	strace $0x90000047  }
0xed: {  	s0 =	sadd.s32 @!p0 $0x100000, s0;
	[bflag:$0x2] =	sbarrier.arrive $0xFFFF  }
0xee: {  	[sflag:s0] =	ssyncadd.tile.s32 @!p0 $0x1;
	_ =	shalt  }
.Lfunc_end2:
_tile_overlayer_lowered:
.L_overlay_start_2:
0xef: {  	(tag) =	ssettag $0x2  }
0xf0: {  	s0 =	rddreg [dreg:$0x0];
	s2 =	stileid.u32  }
0xf1: {  	s1 =	rddreg [dreg:$0x1];
	p0 =	sne.s32 s2, $0x0  }
0xf2: {  	s3 =	rddreg [dreg:$0x2];
	[bflag:$0x3] =	sbarrier.arrive $0xFFFF;
	s2 =	simm.s32 @!p0 $0x1C05  }
0xf3: {  	[timem:s3], [sflag:s2] =	dma.local @!p0 [hbm:s0], s1  }
0xf4: {  	s0 =	simm.s32 @!p0 $0x5  }
0xf5: {  	_ =	swait.ge @!p0 [sflag:s0], s1  }
0xf6: {  	s1 =	ssub.s32 @!p0 $0x0, s1;
	[sflag:s0] =	ssyncset.done @!p0 $0x0  }
0xf7: {  	[sflag:s0] =	ssyncadd.s32 @!p0 s1  }
0xf8: {  	[bflag:$0x3] =	sbarrier.arrive $0xFFFF  }
0xf9: {  	_ =	shalt  }

</sc_bundles>
